<compile_context>
chip_gen: v7x
topology: tpu7x:2x2x1
jax: 0.10.2.dev20260603
libtpu: 0.0.44.dev20260713+nightly
codegen_flags: <defaults>
</compile_context>

<pallas_src>
import functools

import jax
import jax.numpy as jnp
from jax import lax
from jax.experimental import pallas as pl
from jax.experimental.pallas import tpu as pltpu
from jax.experimental.pallas import tpu_sc as plsc

NUM_CF = 13
NUM_DF = 26
EMBED_DIM = 128
VOCAB = 17
B = 16384

NSC = 13
NTC = NUM_DF - NSC
KP = 224

NC = 2
NS = 16
L = 16
NW = NC * NS
ROWS_W = B // NW
CHUNK = 256
NCHUNK = ROWS_W // CHUNK
NGROUP = CHUNK // L
TROWS = NSC * VOCAB
HALF = EMBED_DIM // 2
TSTR = HALF + 1
BSTR = EMBED_DIM + 1

MLP_BLK = 2048


def _tc_mlp_body(cf_ref, g_ref, w1_ref, b1_ref, w2_ref, b2_ref, wb_ref,
                 tab_ref, out_ref):
    cf = cf_ref[...]
    cf = jnp.where(jnp.isnan(cf), jnp.float32(0.0), cf)
    h = jnp.dot(cf, w1_ref[...], preferred_element_type=jnp.float32)
    h = jnp.maximum(h + b1_ref[...], 0.0)
    o = jnp.dot(h, w2_ref[...], preferred_element_type=jnp.float32)
    o = jnp.maximum(o + b2_ref[...], 0.0)
    o = o * wb_ref[0, 0] + wb_ref[0, 1]

    ci = lax.broadcasted_iota(jnp.int32, (NTC, KP), 1)
    ri = lax.broadcasted_iota(jnp.int32, (NTC, KP), 0)
    t_sel = (ci // VOCAB == ri).astype(jnp.float32)
    gsel = jnp.dot(g_ref[...], t_sel, preferred_element_type=jnp.float32)
    cols = lax.broadcasted_iota(jnp.int32, (MLP_BLK, KP), 1)
    onehot = (gsel.astype(jnp.int32) == cols).astype(jnp.bfloat16)
    emb = jnp.dot(onehot, tab_ref[...], preferred_element_type=jnp.float32)
    out_ref[...] = o + emb


def _tc_mlp(cf, g, w1, b1, w2, b2, wb, tab):
    return pl.pallas_call(
        _tc_mlp_body,
        grid=(B // MLP_BLK,),
        out_shape=jax.ShapeDtypeStruct((B, EMBED_DIM), jnp.float32),
        in_specs=[
            pl.BlockSpec((MLP_BLK, NUM_CF), lambda i: (i, 0)),
            pl.BlockSpec((MLP_BLK, NTC), lambda i: (i, 0)),
            pl.BlockSpec((NUM_CF, 2 * NUM_CF), lambda i: (0, 0)),
            pl.BlockSpec((1, 2 * NUM_CF), lambda i: (0, 0)),
            pl.BlockSpec((2 * NUM_CF, EMBED_DIM), lambda i: (0, 0)),
            pl.BlockSpec((1, EMBED_DIM), lambda i: (0, 0)),
            pl.BlockSpec(memory_space=pltpu.SMEM),
            pl.BlockSpec((KP, EMBED_DIM), lambda i: (0, 0)),
        ],
        out_specs=pl.BlockSpec((MLP_BLK, EMBED_DIM), lambda i: (i, 0)),
    )(cf, g, w1, b1, w2, b2, wb, tab)


def _tc_add_body(tc_ref, sc_ref, out_ref):
    out_ref[...] = tc_ref[...] + jnp.swapaxes(sc_ref[...], 0, 1)


def _tc_add(tc_part, sc_part):
    return pl.pallas_call(
        _tc_add_body,
        grid=(B // MLP_BLK,),
        out_shape=jax.ShapeDtypeStruct((B, EMBED_DIM), jnp.float32),
        in_specs=[
            pl.BlockSpec((MLP_BLK, EMBED_DIM), lambda i: (i, 0)),
            pl.BlockSpec((EMBED_DIM, MLP_BLK), lambda i: (0, i)),
        ],
        out_specs=pl.BlockSpec((MLP_BLK, EMBED_DIM), lambda i: (i, 0)),
    )(tc_part, sc_part)


def _sc_emb_body(tp_hbm, d_hbm, out_hbm, tp_v, d_v, buf0, buf1, s0, s1):
    wid = lax.axis_index("s") * NC + lax.axis_index("c")
    base = wid * ROWS_W

    bufs = (buf0, buf1)
    osems = (s0, s1)

    pltpu.sync_copy(tp_hbm, tp_v)
    pltpu.sync_copy(d_hbm.at[:, pl.ds(base, ROWS_W)], d_v)

    outcps = []
    for chunk in range(NCHUNK):
        rb = base + chunk * CHUNK

        def g_body(g, _, chunk=chunk, buf=bufs[chunk]):
            sl = chunk * CHUNK + g * L
            rows = []
            for i in range(NSC):
                dv = d_v[i, pl.ds(sl, L)]
                rows.append((dv + VOCAB * i) * TSTR)

            @plsc.parallel_loop(0, HALF, unroll=4)
            def c_body(c):
                acc_a = jnp.zeros((L,), jnp.float32)
                acc_b = jnp.zeros((L,), jnp.float32)
                for ri in rows:
                    w = plsc.bitcast(
                        plsc.load_gather(tp_v, [ri + c]), jnp.bfloat16)
                    a, b = plsc.unpack(
                        w, format=plsc.PackFormat.INTERLEAVED,
                        preferred_element_type=jnp.float32)
                    acc_a = acc_a + a
                    acc_b = acc_b + b
                buf[c, pl.ds(g * L, L)] = acc_a
                buf[c + HALF, pl.ds(g * L, L)] = acc_b

            return 0

        lax.fori_loop(0, NGROUP, g_body, 0)
        outcps.append(pltpu.async_copy(
            bufs[chunk], out_hbm.at[:, pl.ds(rb, CHUNK)], osems[chunk]))

    for cp in outcps:
        cp.wait()


_sc_emb = pl.kernel(
    _sc_emb_body,
    out_type=jax.ShapeDtypeStruct((EMBED_DIM, B), jnp.float32),
    mesh=plsc.VectorSubcoreMesh(
        core_axis_name="c", subcore_axis_name="s",
        num_cores=NC, num_subcores=NS),
    scratch_types=[
        pltpu.VMEM((TROWS * TSTR,), jnp.int32),
        pltpu.VMEM((NSC, ROWS_W), jnp.int32),
        pltpu.VMEM((EMBED_DIM, CHUNK), jnp.float32),
        pltpu.VMEM((EMBED_DIM, CHUNK), jnp.float32),
        pltpu.SemaphoreType.DMA,
        pltpu.SemaphoreType.DMA,
    ],
    compiler_params=pltpu.CompilerParams(needs_layout_passes=False),
)


def kernel(c0, c1, c2, c3, c4, c5, c6, c7, c8, c9, c10, c11, c12,
           d0, d1, d2, d3, d4, d5, d6, d7, d8, d9, d10, d11, d12,
           d13, d14, d15, d16, d17, d18, d19, d20, d21, d22, d23, d24, d25,
           W1, b1, W2, b2, Wcomb, bcomb,
           E0, E1, E2, E3, E4, E5, E6, E7, E8, E9, E10, E11, E12,
           E13, E14, E15, E16, E17, E18, E19, E20, E21, E22, E23, E24, E25):
    kw = dict(locals())
    cf = jnp.stack([kw["c%d" % i] for i in range(NUM_CF)], axis=1)
    d_sc = jnp.stack([kw["d%d" % i] for i in range(NSC)], axis=0)
    g_tc = (jnp.stack([kw["d%d" % (NSC + i)] for i in range(NTC)], axis=1)
            + VOCAB * jnp.arange(NTC, dtype=jnp.int32)[None, :]
            ).astype(jnp.float32)

    wvec = Wcomb[1:, 0]
    t_sc = jnp.concatenate(
        [kw["E%d" % i] for i in range(NSC)], axis=0)
    tb = (t_sc * jnp.repeat(wvec[:NSC], VOCAB)[:, None]).astype(jnp.bfloat16)
    pair = jnp.stack([tb[:, :HALF], tb[:, HALF:]], axis=-1)
    tp = lax.bitcast_convert_type(pair, jnp.int32)
    tp = jnp.pad(tp, ((0, 0), (0, TSTR - HALF))).reshape(-1)

    t_tc = jnp.concatenate(
        [kw["E%d" % (NSC + i)] for i in range(NTC)], axis=0)
    t_tc = (t_tc * jnp.repeat(wvec[NSC:], VOCAB)[:, None]).astype(jnp.bfloat16)
    t_tc = jnp.pad(t_tc, ((0, KP - NTC * VOCAB), (0, 0)))

    wb = jnp.stack([Wcomb[0, 0], bcomb[0]]).reshape(1, 2)
    sc_part = _sc_emb(tp, d_sc)
    tc_part = _tc_mlp(cf, g_tc, W1, b1.reshape(1, -1), W2, b2.reshape(1, -1),
                      wb, t_tc)
    return _tc_add(tc_part, sc_part)

# --- scband reference (transcript-rebuilt; emitter-appended) ---
"""Pipeline reference for scband-combined-embedder-77704548319447 (READ-ONLY COPY).

The authoritative reference and input builder live on the scoring server;
editing this copy changes nothing except your own understanding.
"""

import jax, jax.numpy as jnp
import numpy as np

NUM_CF = 13
NUM_DF = 26
EMBED_DIM = 128
VOCAB = 17
B = 16384


def setup_inputs(seed: int = 0):
    key = jax.random.key(seed)
    inp = {}
    for i in range(NUM_CF):
        key, k = jax.random.split(key)
        inp["c%d" % i] = jax.random.normal(k, (B,), dtype=jnp.float32)
    for i in range(NUM_DF):
        key, k = jax.random.split(key)
        inp["d%d" % i] = jax.random.randint(k, (B,), 0, VOCAB, dtype=jnp.int32)
    key, k = jax.random.split(key)
    inp["W1"] = jax.random.normal(k, (NUM_CF, 2 * NUM_CF), dtype=jnp.float32) * 0.1
    key, k = jax.random.split(key)
    inp["b1"] = jax.random.normal(k, (2 * NUM_CF,), dtype=jnp.float32) * 0.01
    key, k = jax.random.split(key)
    inp["W2"] = jax.random.normal(k, (2 * NUM_CF, EMBED_DIM), dtype=jnp.float32) * 0.1
    key, k = jax.random.split(key)
    inp["b2"] = jax.random.normal(k, (EMBED_DIM,), dtype=jnp.float32) * 0.01
    key, k = jax.random.split(key)
    inp["Wcomb"] = jax.random.normal(k, (NUM_DF + 1, 1), dtype=jnp.float32) * 0.1
    key, k = jax.random.split(key)
    inp["bcomb"] = jax.random.normal(k, (1,), dtype=jnp.float32) * 0.01
    for i in range(NUM_DF):
        key, k = jax.random.split(key)
        inp["E%d" % i] = jax.random.normal(k, (VOCAB, EMBED_DIM), dtype=jnp.float32) * 0.1
    return inp


def reference(c0, c1, c2, c3, c4, c5, c6, c7, c8, c9, c10, c11, c12,
              d0, d1, d2, d3, d4, d5, d6, d7, d8, d9, d10, d11, d12,
              d13, d14, d15, d16, d17, d18, d19, d20, d21, d22, d23, d24, d25,
              W1, b1, W2, b2, Wcomb, bcomb,
              E0, E1, E2, E3, E4, E5, E6, E7, E8, E9, E10, E11, E12,
              E13, E14, E15, E16, E17, E18, E19, E20, E21, E22, E23, E24, E25):
    kw = dict(locals())
    # continuous branch: stack -> nan-to-zero -> Linear/ReLU -> Linear/ReLU
    cf = jnp.stack([kw["c%d" % i] for i in range(NUM_CF)], axis=1)
    cf = jnp.where(jnp.isnan(cf), 0.0, cf)
    hidden = jax.nn.relu(cf @ kw["W1"] + kw["b1"])
    out0 = jax.nn.relu(hidden @ kw["W2"] + kw["b2"])
    outs = [out0]
    # discrete branch: per-field embedding lookup (dropout = identity in eval)
    for i in range(NUM_DF):
        outs.append(jnp.take(kw["E%d" % i], kw["d%d" % i], axis=0))
    out = jnp.stack(outs, axis=-1)  # [B, EMBED_DIM, NUM_DF + 1]
    out = (out @ kw["Wcomb"] + kw["bcomb"][None, None, :]).squeeze(-1)  # [B, EMBED_DIM]
    return out

if __name__ == "__main__":
    import jax
    _d = setup_inputs()
    print(jax.jit(kernel)(*tuple(_d.values())))

</pallas_src>

<mosaic_0001>
#map = affine_map<(d0, d1) -> (0)>
#map1 = affine_map<(d0, d1) -> (0, 0)>
module attributes {stable_mosaic.version = 14 : i64} {
  func.func @_sc_emb_body(%arg0: i32, %arg1: i32, %arg2: memref<14365xi32, #tpu.memory_space<hbm>>, %arg3: memref<13x16384xi32, #tpu.memory_space<hbm>>, %arg4: memref<128x16384xf32, #tpu.memory_space<hbm>>, %arg5: memref<14365xi32, #tpu.memory_space<vmem>>, %arg6: memref<13x512xi32, #tpu.memory_space<vmem>>, %arg7: memref<128x256xf32, #tpu.memory_space<vmem>>, %arg8: memref<128x256xf32, #tpu.memory_space<vmem>>, %arg9: memref<!tpu.dma_semaphore, #tpu.memory_space<semaphore_mem>>, %arg10: memref<!tpu.dma_semaphore, #tpu.memory_space<semaphore_mem>>) attributes {dimension_semantics = [#tpu.dimension_semantics<core_parallel>, #tpu.dimension_semantics<subcore_parallel>], iteration_bounds = array<i64: 2, 16>, scalar_prefetch = 0 : i64, scratch_operands = 6 : i64, tpu.core_type = #tpu.core_type<sc_vector_subcore>, window_params = [{transform_indices = #map}, {transform_indices = #map1}, {transform_indices = #map1}]} {
    %mul3A = arith.constant 2 : i32
    %mul3A_0 = arith.muli %arg1, %mul3A : i32
    %add3A = arith.addi %mul3A_0, %arg0 : i32
    %mul3A_1 = arith.constant 512 : i32
    %mul3A_2 = arith.muli %add3A, %mul3A_1 : i32
    "tpu.region"() ({
      %run_scoped3A = tpu.sem_alloc : memref<!tpu.dma_semaphore, #tpu.memory_space<semaphore_mem>>
      tpu.enqueue_dma source(%arg2 : memref<14365xi32, #tpu.memory_space<hbm>>) target(%arg5 : memref<14365xi32, #tpu.memory_space<vmem>>) target_semaphore(%run_scoped3A : memref<!tpu.dma_semaphore, #tpu.memory_space<semaphore_mem>>)
      tpu.wait_dma2 semaphore(%run_scoped3A : memref<!tpu.dma_semaphore, #tpu.memory_space<semaphore_mem>>) src(%arg2 : memref<14365xi32, #tpu.memory_space<hbm>>) dst(%arg5 : memref<14365xi32, #tpu.memory_space<vmem>>)
      tpu.yield
    }) : () -> ()
    "tpu.region"() ({
      %run_scoped3A = tpu.sem_alloc : memref<!tpu.dma_semaphore, #tpu.memory_space<semaphore_mem>>
      %dma_start3A_34 = arith.constant 0 : i32
      %dma_start3A_35 = tpu.memref_slice %arg3[%dma_start3A_34, %mul3A_2] : memref<13x16384xi32, #tpu.memory_space<hbm>> -> memref<13x512xi32, #tpu.memory_space<hbm>>
      %dma_start3A_36 = arith.constant 0 : i32
      %dma_start3A_37 = tpu.memref_slice %arg3[%dma_start3A_36, %mul3A_2] : memref<13x16384xi32, #tpu.memory_space<hbm>> -> memref<13x512xi32, #tpu.memory_space<hbm>>
      tpu.enqueue_dma source(%dma_start3A_37 : memref<13x512xi32, #tpu.memory_space<hbm>>) target(%arg6 : memref<13x512xi32, #tpu.memory_space<vmem>>) target_semaphore(%run_scoped3A : memref<!tpu.dma_semaphore, #tpu.memory_space<semaphore_mem>>)
      %dma_wait3A_38 = arith.constant 0 : i32
      %dma_wait3A_39 = tpu.memref_slice %arg3[%dma_wait3A_38, %mul3A_2] : memref<13x16384xi32, #tpu.memory_space<hbm>> -> memref<13x512xi32, #tpu.memory_space<hbm>>
      %dma_wait3A_40 = arith.constant 0 : i32
      %dma_wait3A_41 = tpu.memref_slice %arg3[%dma_wait3A_40, %mul3A_2] : memref<13x16384xi32, #tpu.memory_space<hbm>> -> memref<13x512xi32, #tpu.memory_space<hbm>>
      tpu.wait_dma2 semaphore(%run_scoped3A : memref<!tpu.dma_semaphore, #tpu.memory_space<semaphore_mem>>) src(%dma_wait3A_41 : memref<13x512xi32, #tpu.memory_space<hbm>>) dst(%arg6 : memref<13x512xi32, #tpu.memory_space<vmem>>)
      tpu.yield
    }) : () -> ()
    %add3A_3 = arith.constant 0 : i32
    %add3A_4 = arith.addi %mul3A_2, %add3A_3 : i32
    %scan3A = arith.constant 0 : i32
    %scan3A_5 = arith.constant 0 : i32
    %scan3A_6 = arith.constant 16 : i32
    %scan3A_7 = arith.addi %scan3A_5, %scan3A_6 : i32
    %scan3A_8 = arith.constant 1 : i32
    %scan3A_9 = scf.for %scan3A_34 = %scan3A_5 to %scan3A_7 step %scan3A_8 iter_args(%scan3A_35 = %scan3A) -> (i32)  : i32 {
      %mul3A_36 = arith.constant 16 : i32
      %mul3A_37 = arith.muli %scan3A_34, %mul3A_36 : i32
      %add3A_38 = arith.constant 0 : i32
      %add3A_39 = arith.addi %add3A_38, %mul3A_37 : i32
      %get3A = arith.constant 0 : i32
      %get3A_40 = arith.index_cast %get3A : i32 to index
      %get3A_41 = arith.index_cast %add3A_39 : i32 to index
      %get3A_42 = tpu.vector_load %arg6[%get3A_40, %get3A_41] {strides = array<i32>} : memref<13x512xi32, #tpu.memory_space<vmem>>, vector<16xi32>,
      %add3A_43 = arith.constant 0 : i32
      %add3A_44 = vector.broadcast %add3A_43 : i32 to vector<16xi32>
      %add3A_45 = arith.addi %get3A_42, %add3A_44 : vector<16xi32>
      %mul3A_46 = arith.constant 65 : i32
      %mul3A_47 = vector.broadcast %mul3A_46 : i32 to vector<16xi32>
      %mul3A_48 = arith.muli %add3A_45, %mul3A_47 : vector<16xi32>
      %get3A_49 = arith.constant 1 : i32
      %get3A_50 = arith.index_cast %get3A_49 : i32 to index
      %get3A_51 = arith.index_cast %add3A_39 : i32 to index
      %get3A_52 = tpu.vector_load %arg6[%get3A_50, %get3A_51] {strides = array<i32>} : memref<13x512xi32, #tpu.memory_space<vmem>>, vector<16xi32>,
      %add3A_53 = arith.constant 17 : i32
      %add3A_54 = vector.broadcast %add3A_53 : i32 to vector<16xi32>
      %add3A_55 = arith.addi %get3A_52, %add3A_54 : vector<16xi32>
      %mul3A_56 = arith.constant 65 : i32
      %mul3A_57 = vector.broadcast %mul3A_56 : i32 to vector<16xi32>
      %mul3A_58 = arith.muli %add3A_55, %mul3A_57 : vector<16xi32>
      %get3A_59 = arith.constant 2 : i32
      %get3A_60 = arith.index_cast %get3A_59 : i32 to index
      %get3A_61 = arith.index_cast %add3A_39 : i32 to index
      %get3A_62 = tpu.vector_load %arg6[%get3A_60, %get3A_61] {strides = array<i32>} : memref<13x512xi32, #tpu.memory_space<vmem>>, vector<16xi32>,
      %add3A_63 = arith.constant 34 : i32
      %add3A_64 = vector.broadcast %add3A_63 : i32 to vector<16xi32>
      %add3A_65 = arith.addi %get3A_62, %add3A_64 : vector<16xi32>
      %mul3A_66 = arith.constant 65 : i32
      %mul3A_67 = vector.broadcast %mul3A_66 : i32 to vector<16xi32>
      %mul3A_68 = arith.muli %add3A_65, %mul3A_67 : vector<16xi32>
      %get3A_69 = arith.constant 3 : i32
      %get3A_70 = arith.index_cast %get3A_69 : i32 to index
      %get3A_71 = arith.index_cast %add3A_39 : i32 to index
      %get3A_72 = tpu.vector_load %arg6[%get3A_70, %get3A_71] {strides = array<i32>} : memref<13x512xi32, #tpu.memory_space<vmem>>, vector<16xi32>,
      %add3A_73 = arith.constant 51 : i32
      %add3A_74 = vector.broadcast %add3A_73 : i32 to vector<16xi32>
      %add3A_75 = arith.addi %get3A_72, %add3A_74 : vector<16xi32>
      %mul3A_76 = arith.constant 65 : i32
      %mul3A_77 = vector.broadcast %mul3A_76 : i32 to vector<16xi32>
      %mul3A_78 = arith.muli %add3A_75, %mul3A_77 : vector<16xi32>
      %get3A_79 = arith.constant 4 : i32
      %get3A_80 = arith.index_cast %get3A_79 : i32 to index
      %get3A_81 = arith.index_cast %add3A_39 : i32 to index
      %get3A_82 = tpu.vector_load %arg6[%get3A_80, %get3A_81] {strides = array<i32>} : memref<13x512xi32, #tpu.memory_space<vmem>>, vector<16xi32>,
      %add3A_83 = arith.constant 68 : i32
      %add3A_84 = vector.broadcast %add3A_83 : i32 to vector<16xi32>
      %add3A_85 = arith.addi %get3A_82, %add3A_84 : vector<16xi32>
      %mul3A_86 = arith.constant 65 : i32
      %mul3A_87 = vector.broadcast %mul3A_86 : i32 to vector<16xi32>
      %mul3A_88 = arith.muli %add3A_85, %mul3A_87 : vector<16xi32>
      %get3A_89 = arith.constant 5 : i32
      %get3A_90 = arith.index_cast %get3A_89 : i32 to index
      %get3A_91 = arith.index_cast %add3A_39 : i32 to index
      %get3A_92 = tpu.vector_load %arg6[%get3A_90, %get3A_91] {strides = array<i32>} : memref<13x512xi32, #tpu.memory_space<vmem>>, vector<16xi32>,
      %add3A_93 = arith.constant 85 : i32
      %add3A_94 = vector.broadcast %add3A_93 : i32 to vector<16xi32>
      %add3A_95 = arith.addi %get3A_92, %add3A_94 : vector<16xi32>
      %mul3A_96 = arith.constant 65 : i32
      %mul3A_97 = vector.broadcast %mul3A_96 : i32 to vector<16xi32>
      %mul3A_98 = arith.muli %add3A_95, %mul3A_97 : vector<16xi32>
      %get3A_99 = arith.constant 6 : i32
      %get3A_100 = arith.index_cast %get3A_99 : i32 to index
      %get3A_101 = arith.index_cast %add3A_39 : i32 to index
      %get3A_102 = tpu.vector_load %arg6[%get3A_100, %get3A_101] {strides = array<i32>} : memref<13x512xi32, #tpu.memory_space<vmem>>, vector<16xi32>,
      %add3A_103 = arith.constant 102 : i32
      %add3A_104 = vector.broadcast %add3A_103 : i32 to vector<16xi32>
      %add3A_105 = arith.addi %get3A_102, %add3A_104 : vector<16xi32>
      %mul3A_106 = arith.constant 65 : i32
      %mul3A_107 = vector.broadcast %mul3A_106 : i32 to vector<16xi32>
      %mul3A_108 = arith.muli %add3A_105, %mul3A_107 : vector<16xi32>
      %get3A_109 = arith.constant 7 : i32
      %get3A_110 = arith.index_cast %get3A_109 : i32 to index
      %get3A_111 = arith.index_cast %add3A_39 : i32 to index
      %get3A_112 = tpu.vector_load %arg6[%get3A_110, %get3A_111] {strides = array<i32>} : memref<13x512xi32, #tpu.memory_space<vmem>>, vector<16xi32>,
      %add3A_113 = arith.constant 119 : i32
      %add3A_114 = vector.broadcast %add3A_113 : i32 to vector<16xi32>
      %add3A_115 = arith.addi %get3A_112, %add3A_114 : vector<16xi32>
      %mul3A_116 = arith.constant 65 : i32
      %mul3A_117 = vector.broadcast %mul3A_116 : i32 to vector<16xi32>
      %mul3A_118 = arith.muli %add3A_115, %mul3A_117 : vector<16xi32>
      %get3A_119 = arith.constant 8 : i32
      %get3A_120 = arith.index_cast %get3A_119 : i32 to index
      %get3A_121 = arith.index_cast %add3A_39 : i32 to index
      %get3A_122 = tpu.vector_load %arg6[%get3A_120, %get3A_121] {strides = array<i32>} : memref<13x512xi32, #tpu.memory_space<vmem>>, vector<16xi32>,
      %add3A_123 = arith.constant 136 : i32
      %add3A_124 = vector.broadcast %add3A_123 : i32 to vector<16xi32>
      %add3A_125 = arith.addi %get3A_122, %add3A_124 : vector<16xi32>
      %mul3A_126 = arith.constant 65 : i32
      %mul3A_127 = vector.broadcast %mul3A_126 : i32 to vector<16xi32>
      %mul3A_128 = arith.muli %add3A_125, %mul3A_127 : vector<16xi32>
      %get3A_129 = arith.constant 9 : i32
      %get3A_130 = arith.index_cast %get3A_129 : i32 to index
      %get3A_131 = arith.index_cast %add3A_39 : i32 to index
      %get3A_132 = tpu.vector_load %arg6[%get3A_130, %get3A_131] {strides = array<i32>} : memref<13x512xi32, #tpu.memory_space<vmem>>, vector<16xi32>,
      %add3A_133 = arith.constant 153 : i32
      %add3A_134 = vector.broadcast %add3A_133 : i32 to vector<16xi32>
      %add3A_135 = arith.addi %get3A_132, %add3A_134 : vector<16xi32>
      %mul3A_136 = arith.constant 65 : i32
      %mul3A_137 = vector.broadcast %mul3A_136 : i32 to vector<16xi32>
      %mul3A_138 = arith.muli %add3A_135, %mul3A_137 : vector<16xi32>
      %get3A_139 = arith.constant 10 : i32
      %get3A_140 = arith.index_cast %get3A_139 : i32 to index
      %get3A_141 = arith.index_cast %add3A_39 : i32 to index
      %get3A_142 = tpu.vector_load %arg6[%get3A_140, %get3A_141] {strides = array<i32>} : memref<13x512xi32, #tpu.memory_space<vmem>>, vector<16xi32>,
      %add3A_143 = arith.constant 170 : i32
      %add3A_144 = vector.broadcast %add3A_143 : i32 to vector<16xi32>
      %add3A_145 = arith.addi %get3A_142, %add3A_144 : vector<16xi32>
      %mul3A_146 = arith.constant 65 : i32
      %mul3A_147 = vector.broadcast %mul3A_146 : i32 to vector<16xi32>
      %mul3A_148 = arith.muli %add3A_145, %mul3A_147 : vector<16xi32>
      %get3A_149 = arith.constant 11 : i32
      %get3A_150 = arith.index_cast %get3A_149 : i32 to index
      %get3A_151 = arith.index_cast %add3A_39 : i32 to index
      %get3A_152 = tpu.vector_load %arg6[%get3A_150, %get3A_151] {strides = array<i32>} : memref<13x512xi32, #tpu.memory_space<vmem>>, vector<16xi32>,
      %add3A_153 = arith.constant 187 : i32
      %add3A_154 = vector.broadcast %add3A_153 : i32 to vector<16xi32>
      %add3A_155 = arith.addi %get3A_152, %add3A_154 : vector<16xi32>
      %mul3A_156 = arith.constant 65 : i32
      %mul3A_157 = vector.broadcast %mul3A_156 : i32 to vector<16xi32>
      %mul3A_158 = arith.muli %add3A_155, %mul3A_157 : vector<16xi32>
      %get3A_159 = arith.constant 12 : i32
      %get3A_160 = arith.index_cast %get3A_159 : i32 to index
      %get3A_161 = arith.index_cast %add3A_39 : i32 to index
      %get3A_162 = tpu.vector_load %arg6[%get3A_160, %get3A_161] {strides = array<i32>} : memref<13x512xi32, #tpu.memory_space<vmem>>, vector<16xi32>,
      %add3A_163 = arith.constant 204 : i32
      %add3A_164 = vector.broadcast %add3A_163 : i32 to vector<16xi32>
      %add3A_165 = arith.addi %get3A_162, %add3A_164 : vector<16xi32>
      %mul3A_166 = arith.constant 65 : i32
      %mul3A_167 = vector.broadcast %mul3A_166 : i32 to vector<16xi32>
      %mul3A_168 = arith.muli %add3A_165, %mul3A_167 : vector<16xi32>
      %parallel_loop3A = arith.constant 0 : i32
      %parallel_loop3A_169 = arith.constant 64 : i32
      %parallel_loop3A_170 = arith.constant 1 : i32
      scf.for %parallel_loop3A_172 = %parallel_loop3A to %parallel_loop3A_169 step %parallel_loop3A_170  : i32 {
        %parallel_loop3A_173 = arith.constant 0.000000e+00 : f32
        %parallel_loop3A_174 = vector.broadcast %parallel_loop3A_173 : f32 to vector<16xf32>
        %parallel_loop3A_175 = arith.constant 0.000000e+00 : f32
        %parallel_loop3A_176 = vector.broadcast %parallel_loop3A_175 : f32 to vector<16xf32>
        %parallel_loop3A_177 = vector.broadcast %parallel_loop3A_172 : i32 to vector<16xi32>
        %parallel_loop3A_178 = arith.addi %mul3A_48, %parallel_loop3A_177 : vector<16xi32>
        %parallel_loop3A_179 = tpu.vector_load_idx %arg5[%parallel_loop3A_178] : memref<14365xi32, #tpu.memory_space<vmem>>[vector<16xi32>], vector<16xi32>,
        %parallel_loop3A_180 = vector.bitcast %parallel_loop3A_179 : vector<16xi32> to vector<32xbf16>
        %parallel_loop3A_181 = tpu.unpack_subelements %parallel_loop3A_180, 0 {pack_format = #tpu.pack_format<interleaved>} : vector<32xbf16> -> vector<16xf32>
        %parallel_loop3A_182 = tpu.unpack_subelements %parallel_loop3A_180, 1 {pack_format = #tpu.pack_format<interleaved>} : vector<32xbf16> -> vector<16xf32>
        %parallel_loop3A_183 = arith.addf %parallel_loop3A_174, %parallel_loop3A_181 : vector<16xf32>
        %parallel_loop3A_184 = arith.addf %parallel_loop3A_176, %parallel_loop3A_182 : vector<16xf32>
        %parallel_loop3A_185 = vector.broadcast %parallel_loop3A_172 : i32 to vector<16xi32>
        %parallel_loop3A_186 = arith.addi %mul3A_58, %parallel_loop3A_185 : vector<16xi32>
        %parallel_loop3A_187 = tpu.vector_load_idx %arg5[%parallel_loop3A_186] : memref<14365xi32, #tpu.memory_space<vmem>>[vector<16xi32>], vector<16xi32>,
        %parallel_loop3A_188 = vector.bitcast %parallel_loop3A_187 : vector<16xi32> to vector<32xbf16>
        %parallel_loop3A_189 = tpu.unpack_subelements %parallel_loop3A_188, 0 {pack_format = #tpu.pack_format<interleaved>} : vector<32xbf16> -> vector<16xf32>
        %parallel_loop3A_190 = tpu.unpack_subelements %parallel_loop3A_188, 1 {pack_format = #tpu.pack_format<interleaved>} : vector<32xbf16> -> vector<16xf32>
        %parallel_loop3A_191 = arith.addf %parallel_loop3A_183, %parallel_loop3A_189 : vector<16xf32>
        %parallel_loop3A_192 = arith.addf %parallel_loop3A_184, %parallel_loop3A_190 : vector<16xf32>
        %parallel_loop3A_193 = vector.broadcast %parallel_loop3A_172 : i32 to vector<16xi32>
        %parallel_loop3A_194 = arith.addi %mul3A_68, %parallel_loop3A_193 : vector<16xi32>
        %parallel_loop3A_195 = tpu.vector_load_idx %arg5[%parallel_loop3A_194] : memref<14365xi32, #tpu.memory_space<vmem>>[vector<16xi32>], vector<16xi32>,
        %parallel_loop3A_196 = vector.bitcast %parallel_loop3A_195 : vector<16xi32> to vector<32xbf16>
        %parallel_loop3A_197 = tpu.unpack_subelements %parallel_loop3A_196, 0 {pack_format = #tpu.pack_format<interleaved>} : vector<32xbf16> -> vector<16xf32>
        %parallel_loop3A_198 = tpu.unpack_subelements %parallel_loop3A_196, 1 {pack_format = #tpu.pack_format<interleaved>} : vector<32xbf16> -> vector<16xf32>
        %parallel_loop3A_199 = arith.addf %parallel_loop3A_191, %parallel_loop3A_197 : vector<16xf32>
        %parallel_loop3A_200 = arith.addf %parallel_loop3A_192, %parallel_loop3A_198 : vector<16xf32>
        %parallel_loop3A_201 = vector.broadcast %parallel_loop3A_172 : i32 to vector<16xi32>
        %parallel_loop3A_202 = arith.addi %mul3A_78, %parallel_loop3A_201 : vector<16xi32>
        %parallel_loop3A_203 = tpu.vector_load_idx %arg5[%parallel_loop3A_202] : memref<14365xi32, #tpu.memory_space<vmem>>[vector<16xi32>], vector<16xi32>,
        %parallel_loop3A_204 = vector.bitcast %parallel_loop3A_203 : vector<16xi32> to vector<32xbf16>
        %parallel_loop3A_205 = tpu.unpack_subelements %parallel_loop3A_204, 0 {pack_format = #tpu.pack_format<interleaved>} : vector<32xbf16> -> vector<16xf32>
        %parallel_loop3A_206 = tpu.unpack_subelements %parallel_loop3A_204, 1 {pack_format = #tpu.pack_format<interleaved>} : vector<32xbf16> -> vector<16xf32>
        %parallel_loop3A_207 = arith.addf %parallel_loop3A_199, %parallel_loop3A_205 : vector<16xf32>
        %parallel_loop3A_208 = arith.addf %parallel_loop3A_200, %parallel_loop3A_206 : vector<16xf32>
        %parallel_loop3A_209 = vector.broadcast %parallel_loop3A_172 : i32 to vector<16xi32>
        %parallel_loop3A_210 = arith.addi %mul3A_88, %parallel_loop3A_209 : vector<16xi32>
        %parallel_loop3A_211 = tpu.vector_load_idx %arg5[%parallel_loop3A_210] : memref<14365xi32, #tpu.memory_space<vmem>>[vector<16xi32>], vector<16xi32>,
        %parallel_loop3A_212 = vector.bitcast %parallel_loop3A_211 : vector<16xi32> to vector<32xbf16>
        %parallel_loop3A_213 = tpu.unpack_subelements %parallel_loop3A_212, 0 {pack_format = #tpu.pack_format<interleaved>} : vector<32xbf16> -> vector<16xf32>
        %parallel_loop3A_214 = tpu.unpack_subelements %parallel_loop3A_212, 1 {pack_format = #tpu.pack_format<interleaved>} : vector<32xbf16> -> vector<16xf32>
        %parallel_loop3A_215 = arith.addf %parallel_loop3A_207, %parallel_loop3A_213 : vector<16xf32>
        %parallel_loop3A_216 = arith.addf %parallel_loop3A_208, %parallel_loop3A_214 : vector<16xf32>
        %parallel_loop3A_217 = vector.broadcast %parallel_loop3A_172 : i32 to vector<16xi32>
        %parallel_loop3A_218 = arith.addi %mul3A_98, %parallel_loop3A_217 : vector<16xi32>
        %parallel_loop3A_219 = tpu.vector_load_idx %arg5[%parallel_loop3A_218] : memref<14365xi32, #tpu.memory_space<vmem>>[vector<16xi32>], vector<16xi32>,
        %parallel_loop3A_220 = vector.bitcast %parallel_loop3A_219 : vector<16xi32> to vector<32xbf16>
        %parallel_loop3A_221 = tpu.unpack_subelements %parallel_loop3A_220, 0 {pack_format = #tpu.pack_format<interleaved>} : vector<32xbf16> -> vector<16xf32>
        %parallel_loop3A_222 = tpu.unpack_subelements %parallel_loop3A_220, 1 {pack_format = #tpu.pack_format<interleaved>} : vector<32xbf16> -> vector<16xf32>
        %parallel_loop3A_223 = arith.addf %parallel_loop3A_215, %parallel_loop3A_221 : vector<16xf32>
        %parallel_loop3A_224 = arith.addf %parallel_loop3A_216, %parallel_loop3A_222 : vector<16xf32>
        %parallel_loop3A_225 = vector.broadcast %parallel_loop3A_172 : i32 to vector<16xi32>
        %parallel_loop3A_226 = arith.addi %mul3A_108, %parallel_loop3A_225 : vector<16xi32>
        %parallel_loop3A_227 = tpu.vector_load_idx %arg5[%parallel_loop3A_226] : memref<14365xi32, #tpu.memory_space<vmem>>[vector<16xi32>], vector<16xi32>,
        %parallel_loop3A_228 = vector.bitcast %parallel_loop3A_227 : vector<16xi32> to vector<32xbf16>
        %parallel_loop3A_229 = tpu.unpack_subelements %parallel_loop3A_228, 0 {pack_format = #tpu.pack_format<interleaved>} : vector<32xbf16> -> vector<16xf32>
        %parallel_loop3A_230 = tpu.unpack_subelements %parallel_loop3A_228, 1 {pack_format = #tpu.pack_format<interleaved>} : vector<32xbf16> -> vector<16xf32>
        %parallel_loop3A_231 = arith.addf %parallel_loop3A_223, %parallel_loop3A_229 : vector<16xf32>
        %parallel_loop3A_232 = arith.addf %parallel_loop3A_224, %parallel_loop3A_230 : vector<16xf32>
        %parallel_loop3A_233 = vector.broadcast %parallel_loop3A_172 : i32 to vector<16xi32>
        %parallel_loop3A_234 = arith.addi %mul3A_118, %parallel_loop3A_233 : vector<16xi32>
        %parallel_loop3A_235 = tpu.vector_load_idx %arg5[%parallel_loop3A_234] : memref<14365xi32, #tpu.memory_space<vmem>>[vector<16xi32>], vector<16xi32>,
        %parallel_loop3A_236 = vector.bitcast %parallel_loop3A_235 : vector<16xi32> to vector<32xbf16>
        %parallel_loop3A_237 = tpu.unpack_subelements %parallel_loop3A_236, 0 {pack_format = #tpu.pack_format<interleaved>} : vector<32xbf16> -> vector<16xf32>
        %parallel_loop3A_238 = tpu.unpack_subelements %parallel_loop3A_236, 1 {pack_format = #tpu.pack_format<interleaved>} : vector<32xbf16> -> vector<16xf32>
        %parallel_loop3A_239 = arith.addf %parallel_loop3A_231, %parallel_loop3A_237 : vector<16xf32>
        %parallel_loop3A_240 = arith.addf %parallel_loop3A_232, %parallel_loop3A_238 : vector<16xf32>
        %parallel_loop3A_241 = vector.broadcast %parallel_loop3A_172 : i32 to vector<16xi32>
        %parallel_loop3A_242 = arith.addi %mul3A_128, %parallel_loop3A_241 : vector<16xi32>
        %parallel_loop3A_243 = tpu.vector_load_idx %arg5[%parallel_loop3A_242] : memref<14365xi32, #tpu.memory_space<vmem>>[vector<16xi32>], vector<16xi32>,
        %parallel_loop3A_244 = vector.bitcast %parallel_loop3A_243 : vector<16xi32> to vector<32xbf16>
        %parallel_loop3A_245 = tpu.unpack_subelements %parallel_loop3A_244, 0 {pack_format = #tpu.pack_format<interleaved>} : vector<32xbf16> -> vector<16xf32>
        %parallel_loop3A_246 = tpu.unpack_subelements %parallel_loop3A_244, 1 {pack_format = #tpu.pack_format<interleaved>} : vector<32xbf16> -> vector<16xf32>
        %parallel_loop3A_247 = arith.addf %parallel_loop3A_239, %parallel_loop3A_245 : vector<16xf32>
        %parallel_loop3A_248 = arith.addf %parallel_loop3A_240, %parallel_loop3A_246 : vector<16xf32>
        %parallel_loop3A_249 = vector.broadcast %parallel_loop3A_172 : i32 to vector<16xi32>
        %parallel_loop3A_250 = arith.addi %mul3A_138, %parallel_loop3A_249 : vector<16xi32>
        %parallel_loop3A_251 = tpu.vector_load_idx %arg5[%parallel_loop3A_250] : memref<14365xi32, #tpu.memory_space<vmem>>[vector<16xi32>], vector<16xi32>,
        %parallel_loop3A_252 = vector.bitcast %parallel_loop3A_251 : vector<16xi32> to vector<32xbf16>
        %parallel_loop3A_253 = tpu.unpack_subelements %parallel_loop3A_252, 0 {pack_format = #tpu.pack_format<interleaved>} : vector<32xbf16> -> vector<16xf32>
        %parallel_loop3A_254 = tpu.unpack_subelements %parallel_loop3A_252, 1 {pack_format = #tpu.pack_format<interleaved>} : vector<32xbf16> -> vector<16xf32>
        %parallel_loop3A_255 = arith.addf %parallel_loop3A_247, %parallel_loop3A_253 : vector<16xf32>
        %parallel_loop3A_256 = arith.addf %parallel_loop3A_248, %parallel_loop3A_254 : vector<16xf32>
        %parallel_loop3A_257 = vector.broadcast %parallel_loop3A_172 : i32 to vector<16xi32>
        %parallel_loop3A_258 = arith.addi %mul3A_148, %parallel_loop3A_257 : vector<16xi32>
        %parallel_loop3A_259 = tpu.vector_load_idx %arg5[%parallel_loop3A_258] : memref<14365xi32, #tpu.memory_space<vmem>>[vector<16xi32>], vector<16xi32>,
        %parallel_loop3A_260 = vector.bitcast %parallel_loop3A_259 : vector<16xi32> to vector<32xbf16>
        %parallel_loop3A_261 = tpu.unpack_subelements %parallel_loop3A_260, 0 {pack_format = #tpu.pack_format<interleaved>} : vector<32xbf16> -> vector<16xf32>
        %parallel_loop3A_262 = tpu.unpack_subelements %parallel_loop3A_260, 1 {pack_format = #tpu.pack_format<interleaved>} : vector<32xbf16> -> vector<16xf32>
        %parallel_loop3A_263 = arith.addf %parallel_loop3A_255, %parallel_loop3A_261 : vector<16xf32>
        %parallel_loop3A_264 = arith.addf %parallel_loop3A_256, %parallel_loop3A_262 : vector<16xf32>
        %parallel_loop3A_265 = vector.broadcast %parallel_loop3A_172 : i32 to vector<16xi32>
        %parallel_loop3A_266 = arith.addi %mul3A_158, %parallel_loop3A_265 : vector<16xi32>
        %parallel_loop3A_267 = tpu.vector_load_idx %arg5[%parallel_loop3A_266] : memref<14365xi32, #tpu.memory_space<vmem>>[vector<16xi32>], vector<16xi32>,
        %parallel_loop3A_268 = vector.bitcast %parallel_loop3A_267 : vector<16xi32> to vector<32xbf16>
        %parallel_loop3A_269 = tpu.unpack_subelements %parallel_loop3A_268, 0 {pack_format = #tpu.pack_format<interleaved>} : vector<32xbf16> -> vector<16xf32>
        %parallel_loop3A_270 = tpu.unpack_subelements %parallel_loop3A_268, 1 {pack_format = #tpu.pack_format<interleaved>} : vector<32xbf16> -> vector<16xf32>
        %parallel_loop3A_271 = arith.addf %parallel_loop3A_263, %parallel_loop3A_269 : vector<16xf32>
        %parallel_loop3A_272 = arith.addf %parallel_loop3A_264, %parallel_loop3A_270 : vector<16xf32>
        %parallel_loop3A_273 = vector.broadcast %parallel_loop3A_172 : i32 to vector<16xi32>
        %parallel_loop3A_274 = arith.addi %mul3A_168, %parallel_loop3A_273 : vector<16xi32>
        %parallel_loop3A_275 = tpu.vector_load_idx %arg5[%parallel_loop3A_274] : memref<14365xi32, #tpu.memory_space<vmem>>[vector<16xi32>], vector<16xi32>,
        %parallel_loop3A_276 = vector.bitcast %parallel_loop3A_275 : vector<16xi32> to vector<32xbf16>
        %parallel_loop3A_277 = tpu.unpack_subelements %parallel_loop3A_276, 0 {pack_format = #tpu.pack_format<interleaved>} : vector<32xbf16> -> vector<16xf32>
        %parallel_loop3A_278 = tpu.unpack_subelements %parallel_loop3A_276, 1 {pack_format = #tpu.pack_format<interleaved>} : vector<32xbf16> -> vector<16xf32>
        %parallel_loop3A_279 = arith.addf %parallel_loop3A_271, %parallel_loop3A_277 : vector<16xf32>
        %parallel_loop3A_280 = arith.addf %parallel_loop3A_272, %parallel_loop3A_278 : vector<16xf32>
        %parallel_loop3A_281 = arith.constant 16 : i32
        %parallel_loop3A_282 = arith.muli %scan3A_34, %parallel_loop3A_281 : i32
        %parallel_loop3A_283 = arith.index_cast %parallel_loop3A_172 : i32 to index
        %parallel_loop3A_284 = arith.index_cast %parallel_loop3A_282 : i32 to index
        %parallel_loop3A_285 = tpu.vector_load %arg7[%parallel_loop3A_283, %parallel_loop3A_284] {strides = array<i32>} : memref<128x256xf32, #tpu.memory_space<vmem>>, vector<16xf32>,
        tpu.vector_store %arg7[%parallel_loop3A_283, %parallel_loop3A_284], %parallel_loop3A_279 {strides = array<i32>} : memref<128x256xf32, #tpu.memory_space<vmem>>, vector<16xf32>,
        %parallel_loop3A_286 = arith.constant 64 : i32
        %parallel_loop3A_287 = arith.addi %parallel_loop3A_172, %parallel_loop3A_286 : i32
        %parallel_loop3A_288 = arith.constant 16 : i32
        %parallel_loop3A_289 = arith.muli %scan3A_34, %parallel_loop3A_288 : i32
        %parallel_loop3A_290 = arith.index_cast %parallel_loop3A_287 : i32 to index
        %parallel_loop3A_291 = arith.index_cast %parallel_loop3A_289 : i32 to index
        %parallel_loop3A_292 = tpu.vector_load %arg7[%parallel_loop3A_290, %parallel_loop3A_291] {strides = array<i32>} : memref<128x256xf32, #tpu.memory_space<vmem>>, vector<16xf32>,
        tpu.vector_store %arg7[%parallel_loop3A_290, %parallel_loop3A_291], %parallel_loop3A_280 {strides = array<i32>} : memref<128x256xf32, #tpu.memory_space<vmem>>, vector<16xf32>,
      } {sc.loop_unroll_factor = 4 : i64, sc.parallel_access}
      %scan3A_171 = arith.constant 0 : i32
      scf.yield %scan3A_171 : i32
    }
    %scan3A_10 = arith.constant 16 : i32
    %dma_start3A = arith.constant 0 : i32
    %dma_start3A_11 = tpu.memref_slice %arg4[%dma_start3A, %add3A_4] : memref<128x16384xf32, #tpu.memory_space<hbm>> -> memref<128x256xf32, #tpu.memory_space<hbm>>
    %dma_start3A_12 = arith.constant 0 : i32
    %dma_start3A_13 = tpu.memref_slice %arg4[%dma_start3A_12, %add3A_4] : memref<128x16384xf32, #tpu.memory_space<hbm>> -> memref<128x256xf32, #tpu.memory_space<hbm>>
    tpu.enqueue_dma source(%arg7 : memref<128x256xf32, #tpu.memory_space<vmem>>) target(%dma_start3A_13 : memref<128x256xf32, #tpu.memory_space<hbm>>) target_semaphore(%arg9 : memref<!tpu.dma_semaphore, #tpu.memory_space<semaphore_mem>>)
    %add3A_14 = arith.constant 256 : i32
    %add3A_15 = arith.addi %mul3A_2, %add3A_14 : i32
    %scan3A_16 = arith.constant 0 : i32
    %scan3A_17 = arith.constant 0 : i32
    %scan3A_18 = arith.constant 16 : i32
    %scan3A_19 = arith.addi %scan3A_17, %scan3A_18 : i32
    %scan3A_20 = arith.constant 1 : i32
    %scan3A_21 = scf.for %scan3A_34 = %scan3A_17 to %scan3A_19 step %scan3A_20 iter_args(%scan3A_35 = %scan3A_16) -> (i32)  : i32 {
      %mul3A_36 = arith.constant 16 : i32
      %mul3A_37 = arith.muli %scan3A_34, %mul3A_36 : i32
      %add3A_38 = arith.constant 256 : i32
      %add3A_39 = arith.addi %add3A_38, %mul3A_37 : i32
      %get3A = arith.constant 0 : i32
      %get3A_40 = arith.index_cast %get3A : i32 to index
      %get3A_41 = arith.index_cast %add3A_39 : i32 to index
      %get3A_42 = tpu.vector_load %arg6[%get3A_40, %get3A_41] {strides = array<i32>} : memref<13x512xi32, #tpu.memory_space<vmem>>, vector<16xi32>,
      %add3A_43 = arith.constant 0 : i32
      %add3A_44 = vector.broadcast %add3A_43 : i32 to vector<16xi32>
      %add3A_45 = arith.addi %get3A_42, %add3A_44 : vector<16xi32>
      %mul3A_46 = arith.constant 65 : i32
      %mul3A_47 = vector.broadcast %mul3A_46 : i32 to vector<16xi32>
      %mul3A_48 = arith.muli %add3A_45, %mul3A_47 : vector<16xi32>
      %get3A_49 = arith.constant 1 : i32
      %get3A_50 = arith.index_cast %get3A_49 : i32 to index
      %get3A_51 = arith.index_cast %add3A_39 : i32 to index
      %get3A_52 = tpu.vector_load %arg6[%get3A_50, %get3A_51] {strides = array<i32>} : memref<13x512xi32, #tpu.memory_space<vmem>>, vector<16xi32>,
      %add3A_53 = arith.constant 17 : i32
      %add3A_54 = vector.broadcast %add3A_53 : i32 to vector<16xi32>
      %add3A_55 = arith.addi %get3A_52, %add3A_54 : vector<16xi32>
      %mul3A_56 = arith.constant 65 : i32
      %mul3A_57 = vector.broadcast %mul3A_56 : i32 to vector<16xi32>
      %mul3A_58 = arith.muli %add3A_55, %mul3A_57 : vector<16xi32>
      %get3A_59 = arith.constant 2 : i32
      %get3A_60 = arith.index_cast %get3A_59 : i32 to index
      %get3A_61 = arith.index_cast %add3A_39 : i32 to index
      %get3A_62 = tpu.vector_load %arg6[%get3A_60, %get3A_61] {strides = array<i32>} : memref<13x512xi32, #tpu.memory_space<vmem>>, vector<16xi32>,
      %add3A_63 = arith.constant 34 : i32
      %add3A_64 = vector.broadcast %add3A_63 : i32 to vector<16xi32>
      %add3A_65 = arith.addi %get3A_62, %add3A_64 : vector<16xi32>
      %mul3A_66 = arith.constant 65 : i32
      %mul3A_67 = vector.broadcast %mul3A_66 : i32 to vector<16xi32>
      %mul3A_68 = arith.muli %add3A_65, %mul3A_67 : vector<16xi32>
      %get3A_69 = arith.constant 3 : i32
      %get3A_70 = arith.index_cast %get3A_69 : i32 to index
      %get3A_71 = arith.index_cast %add3A_39 : i32 to index
      %get3A_72 = tpu.vector_load %arg6[%get3A_70, %get3A_71] {strides = array<i32>} : memref<13x512xi32, #tpu.memory_space<vmem>>, vector<16xi32>,
      %add3A_73 = arith.constant 51 : i32
      %add3A_74 = vector.broadcast %add3A_73 : i32 to vector<16xi32>
      %add3A_75 = arith.addi %get3A_72, %add3A_74 : vector<16xi32>
      %mul3A_76 = arith.constant 65 : i32
      %mul3A_77 = vector.broadcast %mul3A_76 : i32 to vector<16xi32>
      %mul3A_78 = arith.muli %add3A_75, %mul3A_77 : vector<16xi32>
      %get3A_79 = arith.constant 4 : i32
      %get3A_80 = arith.index_cast %get3A_79 : i32 to index
      %get3A_81 = arith.index_cast %add3A_39 : i32 to index
      %get3A_82 = tpu.vector_load %arg6[%get3A_80, %get3A_81] {strides = array<i32>} : memref<13x512xi32, #tpu.memory_space<vmem>>, vector<16xi32>,
      %add3A_83 = arith.constant 68 : i32
      %add3A_84 = vector.broadcast %add3A_83 : i32 to vector<16xi32>
      %add3A_85 = arith.addi %get3A_82, %add3A_84 : vector<16xi32>
      %mul3A_86 = arith.constant 65 : i32
      %mul3A_87 = vector.broadcast %mul3A_86 : i32 to vector<16xi32>
      %mul3A_88 = arith.muli %add3A_85, %mul3A_87 : vector<16xi32>
      %get3A_89 = arith.constant 5 : i32
      %get3A_90 = arith.index_cast %get3A_89 : i32 to index
      %get3A_91 = arith.index_cast %add3A_39 : i32 to index
      %get3A_92 = tpu.vector_load %arg6[%get3A_90, %get3A_91] {strides = array<i32>} : memref<13x512xi32, #tpu.memory_space<vmem>>, vector<16xi32>,
      %add3A_93 = arith.constant 85 : i32
      %add3A_94 = vector.broadcast %add3A_93 : i32 to vector<16xi32>
      %add3A_95 = arith.addi %get3A_92, %add3A_94 : vector<16xi32>
      %mul3A_96 = arith.constant 65 : i32
      %mul3A_97 = vector.broadcast %mul3A_96 : i32 to vector<16xi32>
      %mul3A_98 = arith.muli %add3A_95, %mul3A_97 : vector<16xi32>
      %get3A_99 = arith.constant 6 : i32
      %get3A_100 = arith.index_cast %get3A_99 : i32 to index
      %get3A_101 = arith.index_cast %add3A_39 : i32 to index
      %get3A_102 = tpu.vector_load %arg6[%get3A_100, %get3A_101] {strides = array<i32>} : memref<13x512xi32, #tpu.memory_space<vmem>>, vector<16xi32>,
      %add3A_103 = arith.constant 102 : i32
      %add3A_104 = vector.broadcast %add3A_103 : i32 to vector<16xi32>
      %add3A_105 = arith.addi %get3A_102, %add3A_104 : vector<16xi32>
      %mul3A_106 = arith.constant 65 : i32
      %mul3A_107 = vector.broadcast %mul3A_106 : i32 to vector<16xi32>
      %mul3A_108 = arith.muli %add3A_105, %mul3A_107 : vector<16xi32>
      %get3A_109 = arith.constant 7 : i32
      %get3A_110 = arith.index_cast %get3A_109 : i32 to index
      %get3A_111 = arith.index_cast %add3A_39 : i32 to index
      %get3A_112 = tpu.vector_load %arg6[%get3A_110, %get3A_111] {strides = array<i32>} : memref<13x512xi32, #tpu.memory_space<vmem>>, vector<16xi32>,
      %add3A_113 = arith.constant 119 : i32
      %add3A_114 = vector.broadcast %add3A_113 : i32 to vector<16xi32>
      %add3A_115 = arith.addi %get3A_112, %add3A_114 : vector<16xi32>
      %mul3A_116 = arith.constant 65 : i32
      %mul3A_117 = vector.broadcast %mul3A_116 : i32 to vector<16xi32>
      %mul3A_118 = arith.muli %add3A_115, %mul3A_117 : vector<16xi32>
      %get3A_119 = arith.constant 8 : i32
      %get3A_120 = arith.index_cast %get3A_119 : i32 to index
      %get3A_121 = arith.index_cast %add3A_39 : i32 to index
      %get3A_122 = tpu.vector_load %arg6[%get3A_120, %get3A_121] {strides = array<i32>} : memref<13x512xi32, #tpu.memory_space<vmem>>, vector<16xi32>,
      %add3A_123 = arith.constant 136 : i32
      %add3A_124 = vector.broadcast %add3A_123 : i32 to vector<16xi32>
      %add3A_125 = arith.addi %get3A_122, %add3A_124 : vector<16xi32>
      %mul3A_126 = arith.constant 65 : i32
      %mul3A_127 = vector.broadcast %mul3A_126 : i32 to vector<16xi32>
      %mul3A_128 = arith.muli %add3A_125, %mul3A_127 : vector<16xi32>
      %get3A_129 = arith.constant 9 : i32
      %get3A_130 = arith.index_cast %get3A_129 : i32 to index
      %get3A_131 = arith.index_cast %add3A_39 : i32 to index
      %get3A_132 = tpu.vector_load %arg6[%get3A_130, %get3A_131] {strides = array<i32>} : memref<13x512xi32, #tpu.memory_space<vmem>>, vector<16xi32>,
      %add3A_133 = arith.constant 153 : i32
      %add3A_134 = vector.broadcast %add3A_133 : i32 to vector<16xi32>
      %add3A_135 = arith.addi %get3A_132, %add3A_134 : vector<16xi32>
      %mul3A_136 = arith.constant 65 : i32
      %mul3A_137 = vector.broadcast %mul3A_136 : i32 to vector<16xi32>
      %mul3A_138 = arith.muli %add3A_135, %mul3A_137 : vector<16xi32>
      %get3A_139 = arith.constant 10 : i32
      %get3A_140 = arith.index_cast %get3A_139 : i32 to index
      %get3A_141 = arith.index_cast %add3A_39 : i32 to index
      %get3A_142 = tpu.vector_load %arg6[%get3A_140, %get3A_141] {strides = array<i32>} : memref<13x512xi32, #tpu.memory_space<vmem>>, vector<16xi32>,
      %add3A_143 = arith.constant 170 : i32
      %add3A_144 = vector.broadcast %add3A_143 : i32 to vector<16xi32>
      %add3A_145 = arith.addi %get3A_142, %add3A_144 : vector<16xi32>
      %mul3A_146 = arith.constant 65 : i32
      %mul3A_147 = vector.broadcast %mul3A_146 : i32 to vector<16xi32>
      %mul3A_148 = arith.muli %add3A_145, %mul3A_147 : vector<16xi32>
      %get3A_149 = arith.constant 11 : i32
      %get3A_150 = arith.index_cast %get3A_149 : i32 to index
      %get3A_151 = arith.index_cast %add3A_39 : i32 to index
      %get3A_152 = tpu.vector_load %arg6[%get3A_150, %get3A_151] {strides = array<i32>} : memref<13x512xi32, #tpu.memory_space<vmem>>, vector<16xi32>,
      %add3A_153 = arith.constant 187 : i32
      %add3A_154 = vector.broadcast %add3A_153 : i32 to vector<16xi32>
      %add3A_155 = arith.addi %get3A_152, %add3A_154 : vector<16xi32>
      %mul3A_156 = arith.constant 65 : i32
      %mul3A_157 = vector.broadcast %mul3A_156 : i32 to vector<16xi32>
      %mul3A_158 = arith.muli %add3A_155, %mul3A_157 : vector<16xi32>
      %get3A_159 = arith.constant 12 : i32
      %get3A_160 = arith.index_cast %get3A_159 : i32 to index
      %get3A_161 = arith.index_cast %add3A_39 : i32 to index
      %get3A_162 = tpu.vector_load %arg6[%get3A_160, %get3A_161] {strides = array<i32>} : memref<13x512xi32, #tpu.memory_space<vmem>>, vector<16xi32>,
      %add3A_163 = arith.constant 204 : i32
      %add3A_164 = vector.broadcast %add3A_163 : i32 to vector<16xi32>
      %add3A_165 = arith.addi %get3A_162, %add3A_164 : vector<16xi32>
      %mul3A_166 = arith.constant 65 : i32
      %mul3A_167 = vector.broadcast %mul3A_166 : i32 to vector<16xi32>
      %mul3A_168 = arith.muli %add3A_165, %mul3A_167 : vector<16xi32>
      %parallel_loop3A = arith.constant 0 : i32
      %parallel_loop3A_169 = arith.constant 64 : i32
      %parallel_loop3A_170 = arith.constant 1 : i32
      scf.for %parallel_loop3A_172 = %parallel_loop3A to %parallel_loop3A_169 step %parallel_loop3A_170  : i32 {
        %parallel_loop3A_173 = arith.constant 0.000000e+00 : f32
        %parallel_loop3A_174 = vector.broadcast %parallel_loop3A_173 : f32 to vector<16xf32>
        %parallel_loop3A_175 = arith.constant 0.000000e+00 : f32
        %parallel_loop3A_176 = vector.broadcast %parallel_loop3A_175 : f32 to vector<16xf32>
        %parallel_loop3A_177 = vector.broadcast %parallel_loop3A_172 : i32 to vector<16xi32>
        %parallel_loop3A_178 = arith.addi %mul3A_48, %parallel_loop3A_177 : vector<16xi32>
        %parallel_loop3A_179 = tpu.vector_load_idx %arg5[%parallel_loop3A_178] : memref<14365xi32, #tpu.memory_space<vmem>>[vector<16xi32>], vector<16xi32>,
        %parallel_loop3A_180 = vector.bitcast %parallel_loop3A_179 : vector<16xi32> to vector<32xbf16>
        %parallel_loop3A_181 = tpu.unpack_subelements %parallel_loop3A_180, 0 {pack_format = #tpu.pack_format<interleaved>} : vector<32xbf16> -> vector<16xf32>
        %parallel_loop3A_182 = tpu.unpack_subelements %parallel_loop3A_180, 1 {pack_format = #tpu.pack_format<interleaved>} : vector<32xbf16> -> vector<16xf32>
        %parallel_loop3A_183 = arith.addf %parallel_loop3A_174, %parallel_loop3A_181 : vector<16xf32>
        %parallel_loop3A_184 = arith.addf %parallel_loop3A_176, %parallel_loop3A_182 : vector<16xf32>
        %parallel_loop3A_185 = vector.broadcast %parallel_loop3A_172 : i32 to vector<16xi32>
        %parallel_loop3A_186 = arith.addi %mul3A_58, %parallel_loop3A_185 : vector<16xi32>
        %parallel_loop3A_187 = tpu.vector_load_idx %arg5[%parallel_loop3A_186] : memref<14365xi32, #tpu.memory_space<vmem>>[vector<16xi32>], vector<16xi32>,
        %parallel_loop3A_188 = vector.bitcast %parallel_loop3A_187 : vector<16xi32> to vector<32xbf16>
        %parallel_loop3A_189 = tpu.unpack_subelements %parallel_loop3A_188, 0 {pack_format = #tpu.pack_format<interleaved>} : vector<32xbf16> -> vector<16xf32>
        %parallel_loop3A_190 = tpu.unpack_subelements %parallel_loop3A_188, 1 {pack_format = #tpu.pack_format<interleaved>} : vector<32xbf16> -> vector<16xf32>
        %parallel_loop3A_191 = arith.addf %parallel_loop3A_183, %parallel_loop3A_189 : vector<16xf32>
        %parallel_loop3A_192 = arith.addf %parallel_loop3A_184, %parallel_loop3A_190 : vector<16xf32>
        %parallel_loop3A_193 = vector.broadcast %parallel_loop3A_172 : i32 to vector<16xi32>
        %parallel_loop3A_194 = arith.addi %mul3A_68, %parallel_loop3A_193 : vector<16xi32>
        %parallel_loop3A_195 = tpu.vector_load_idx %arg5[%parallel_loop3A_194] : memref<14365xi32, #tpu.memory_space<vmem>>[vector<16xi32>], vector<16xi32>,
        %parallel_loop3A_196 = vector.bitcast %parallel_loop3A_195 : vector<16xi32> to vector<32xbf16>
        %parallel_loop3A_197 = tpu.unpack_subelements %parallel_loop3A_196, 0 {pack_format = #tpu.pack_format<interleaved>} : vector<32xbf16> -> vector<16xf32>
        %parallel_loop3A_198 = tpu.unpack_subelements %parallel_loop3A_196, 1 {pack_format = #tpu.pack_format<interleaved>} : vector<32xbf16> -> vector<16xf32>
        %parallel_loop3A_199 = arith.addf %parallel_loop3A_191, %parallel_loop3A_197 : vector<16xf32>
        %parallel_loop3A_200 = arith.addf %parallel_loop3A_192, %parallel_loop3A_198 : vector<16xf32>
        %parallel_loop3A_201 = vector.broadcast %parallel_loop3A_172 : i32 to vector<16xi32>
        %parallel_loop3A_202 = arith.addi %mul3A_78, %parallel_loop3A_201 : vector<16xi32>
        %parallel_loop3A_203 = tpu.vector_load_idx %arg5[%parallel_loop3A_202] : memref<14365xi32, #tpu.memory_space<vmem>>[vector<16xi32>], vector<16xi32>,
        %parallel_loop3A_204 = vector.bitcast %parallel_loop3A_203 : vector<16xi32> to vector<32xbf16>
        %parallel_loop3A_205 = tpu.unpack_subelements %parallel_loop3A_204, 0 {pack_format = #tpu.pack_format<interleaved>} : vector<32xbf16> -> vector<16xf32>
        %parallel_loop3A_206 = tpu.unpack_subelements %parallel_loop3A_204, 1 {pack_format = #tpu.pack_format<interleaved>} : vector<32xbf16> -> vector<16xf32>
        %parallel_loop3A_207 = arith.addf %parallel_loop3A_199, %parallel_loop3A_205 : vector<16xf32>
        %parallel_loop3A_208 = arith.addf %parallel_loop3A_200, %parallel_loop3A_206 : vector<16xf32>
        %parallel_loop3A_209 = vector.broadcast %parallel_loop3A_172 : i32 to vector<16xi32>
        %parallel_loop3A_210 = arith.addi %mul3A_88, %parallel_loop3A_209 : vector<16xi32>
        %parallel_loop3A_211 = tpu.vector_load_idx %arg5[%parallel_loop3A_210] : memref<14365xi32, #tpu.memory_space<vmem>>[vector<16xi32>], vector<16xi32>,
        %parallel_loop3A_212 = vector.bitcast %parallel_loop3A_211 : vector<16xi32> to vector<32xbf16>
        %parallel_loop3A_213 = tpu.unpack_subelements %parallel_loop3A_212, 0 {pack_format = #tpu.pack_format<interleaved>} : vector<32xbf16> -> vector<16xf32>
        %parallel_loop3A_214 = tpu.unpack_subelements %parallel_loop3A_212, 1 {pack_format = #tpu.pack_format<interleaved>} : vector<32xbf16> -> vector<16xf32>
        %parallel_loop3A_215 = arith.addf %parallel_loop3A_207, %parallel_loop3A_213 : vector<16xf32>
        %parallel_loop3A_216 = arith.addf %parallel_loop3A_208, %parallel_loop3A_214 : vector<16xf32>
        %parallel_loop3A_217 = vector.broadcast %parallel_loop3A_172 : i32 to vector<16xi32>
        %parallel_loop3A_218 = arith.addi %mul3A_98, %parallel_loop3A_217 : vector<16xi32>
        %parallel_loop3A_219 = tpu.vector_load_idx %arg5[%parallel_loop3A_218] : memref<14365xi32, #tpu.memory_space<vmem>>[vector<16xi32>], vector<16xi32>,
        %parallel_loop3A_220 = vector.bitcast %parallel_loop3A_219 : vector<16xi32> to vector<32xbf16>
        %parallel_loop3A_221 = tpu.unpack_subelements %parallel_loop3A_220, 0 {pack_format = #tpu.pack_format<interleaved>} : vector<32xbf16> -> vector<16xf32>
        %parallel_loop3A_222 = tpu.unpack_subelements %parallel_loop3A_220, 1 {pack_format = #tpu.pack_format<interleaved>} : vector<32xbf16> -> vector<16xf32>
        %parallel_loop3A_223 = arith.addf %parallel_loop3A_215, %parallel_loop3A_221 : vector<16xf32>
        %parallel_loop3A_224 = arith.addf %parallel_loop3A_216, %parallel_loop3A_222 : vector<16xf32>
        %parallel_loop3A_225 = vector.broadcast %parallel_loop3A_172 : i32 to vector<16xi32>
        %parallel_loop3A_226 = arith.addi %mul3A_108, %parallel_loop3A_225 : vector<16xi32>
        %parallel_loop3A_227 = tpu.vector_load_idx %arg5[%parallel_loop3A_226] : memref<14365xi32, #tpu.memory_space<vmem>>[vector<16xi32>], vector<16xi32>,
        %parallel_loop3A_228 = vector.bitcast %parallel_loop3A_227 : vector<16xi32> to vector<32xbf16>
        %parallel_loop3A_229 = tpu.unpack_subelements %parallel_loop3A_228, 0 {pack_format = #tpu.pack_format<interleaved>} : vector<32xbf16> -> vector<16xf32>
        %parallel_loop3A_230 = tpu.unpack_subelements %parallel_loop3A_228, 1 {pack_format = #tpu.pack_format<interleaved>} : vector<32xbf16> -> vector<16xf32>
        %parallel_loop3A_231 = arith.addf %parallel_loop3A_223, %parallel_loop3A_229 : vector<16xf32>
        %parallel_loop3A_232 = arith.addf %parallel_loop3A_224, %parallel_loop3A_230 : vector<16xf32>
        %parallel_loop3A_233 = vector.broadcast %parallel_loop3A_172 : i32 to vector<16xi32>
        %parallel_loop3A_234 = arith.addi %mul3A_118, %parallel_loop3A_233 : vector<16xi32>
        %parallel_loop3A_235 = tpu.vector_load_idx %arg5[%parallel_loop3A_234] : memref<14365xi32, #tpu.memory_space<vmem>>[vector<16xi32>], vector<16xi32>,
        %parallel_loop3A_236 = vector.bitcast %parallel_loop3A_235 : vector<16xi32> to vector<32xbf16>
        %parallel_loop3A_237 = tpu.unpack_subelements %parallel_loop3A_236, 0 {pack_format = #tpu.pack_format<interleaved>} : vector<32xbf16> -> vector<16xf32>
        %parallel_loop3A_238 = tpu.unpack_subelements %parallel_loop3A_236, 1 {pack_format = #tpu.pack_format<interleaved>} : vector<32xbf16> -> vector<16xf32>
        %parallel_loop3A_239 = arith.addf %parallel_loop3A_231, %parallel_loop3A_237 : vector<16xf32>
        %parallel_loop3A_240 = arith.addf %parallel_loop3A_232, %parallel_loop3A_238 : vector<16xf32>
        %parallel_loop3A_241 = vector.broadcast %parallel_loop3A_172 : i32 to vector<16xi32>
        %parallel_loop3A_242 = arith.addi %mul3A_128, %parallel_loop3A_241 : vector<16xi32>
        %parallel_loop3A_243 = tpu.vector_load_idx %arg5[%parallel_loop3A_242] : memref<14365xi32, #tpu.memory_space<vmem>>[vector<16xi32>], vector<16xi32>,
        %parallel_loop3A_244 = vector.bitcast %parallel_loop3A_243 : vector<16xi32> to vector<32xbf16>
        %parallel_loop3A_245 = tpu.unpack_subelements %parallel_loop3A_244, 0 {pack_format = #tpu.pack_format<interleaved>} : vector<32xbf16> -> vector<16xf32>
        %parallel_loop3A_246 = tpu.unpack_subelements %parallel_loop3A_244, 1 {pack_format = #tpu.pack_format<interleaved>} : vector<32xbf16> -> vector<16xf32>
        %parallel_loop3A_247 = arith.addf %parallel_loop3A_239, %parallel_loop3A_245 : vector<16xf32>
        %parallel_loop3A_248 = arith.addf %parallel_loop3A_240, %parallel_loop3A_246 : vector<16xf32>
        %parallel_loop3A_249 = vector.broadcast %parallel_loop3A_172 : i32 to vector<16xi32>
        %parallel_loop3A_250 = arith.addi %mul3A_138, %parallel_loop3A_249 : vector<16xi32>
        %parallel_loop3A_251 = tpu.vector_load_idx %arg5[%parallel_loop3A_250] : memref<14365xi32, #tpu.memory_space<vmem>>[vector<16xi32>], vector<16xi32>,
        %parallel_loop3A_252 = vector.bitcast %parallel_loop3A_251 : vector<16xi32> to vector<32xbf16>
        %parallel_loop3A_253 = tpu.unpack_subelements %parallel_loop3A_252, 0 {pack_format = #tpu.pack_format<interleaved>} : vector<32xbf16> -> vector<16xf32>
        %parallel_loop3A_254 = tpu.unpack_subelements %parallel_loop3A_252, 1 {pack_format = #tpu.pack_format<interleaved>} : vector<32xbf16> -> vector<16xf32>
        %parallel_loop3A_255 = arith.addf %parallel_loop3A_247, %parallel_loop3A_253 : vector<16xf32>
        %parallel_loop3A_256 = arith.addf %parallel_loop3A_248, %parallel_loop3A_254 : vector<16xf32>
        %parallel_loop3A_257 = vector.broadcast %parallel_loop3A_172 : i32 to vector<16xi32>
        %parallel_loop3A_258 = arith.addi %mul3A_148, %parallel_loop3A_257 : vector<16xi32>
        %parallel_loop3A_259 = tpu.vector_load_idx %arg5[%parallel_loop3A_258] : memref<14365xi32, #tpu.memory_space<vmem>>[vector<16xi32>], vector<16xi32>,
        %parallel_loop3A_260 = vector.bitcast %parallel_loop3A_259 : vector<16xi32> to vector<32xbf16>
        %parallel_loop3A_261 = tpu.unpack_subelements %parallel_loop3A_260, 0 {pack_format = #tpu.pack_format<interleaved>} : vector<32xbf16> -> vector<16xf32>
        %parallel_loop3A_262 = tpu.unpack_subelements %parallel_loop3A_260, 1 {pack_format = #tpu.pack_format<interleaved>} : vector<32xbf16> -> vector<16xf32>
        %parallel_loop3A_263 = arith.addf %parallel_loop3A_255, %parallel_loop3A_261 : vector<16xf32>
        %parallel_loop3A_264 = arith.addf %parallel_loop3A_256, %parallel_loop3A_262 : vector<16xf32>
        %parallel_loop3A_265 = vector.broadcast %parallel_loop3A_172 : i32 to vector<16xi32>
        %parallel_loop3A_266 = arith.addi %mul3A_158, %parallel_loop3A_265 : vector<16xi32>
        %parallel_loop3A_267 = tpu.vector_load_idx %arg5[%parallel_loop3A_266] : memref<14365xi32, #tpu.memory_space<vmem>>[vector<16xi32>], vector<16xi32>,
        %parallel_loop3A_268 = vector.bitcast %parallel_loop3A_267 : vector<16xi32> to vector<32xbf16>
        %parallel_loop3A_269 = tpu.unpack_subelements %parallel_loop3A_268, 0 {pack_format = #tpu.pack_format<interleaved>} : vector<32xbf16> -> vector<16xf32>
        %parallel_loop3A_270 = tpu.unpack_subelements %parallel_loop3A_268, 1 {pack_format = #tpu.pack_format<interleaved>} : vector<32xbf16> -> vector<16xf32>
        %parallel_loop3A_271 = arith.addf %parallel_loop3A_263, %parallel_loop3A_269 : vector<16xf32>
        %parallel_loop3A_272 = arith.addf %parallel_loop3A_264, %parallel_loop3A_270 : vector<16xf32>
        %parallel_loop3A_273 = vector.broadcast %parallel_loop3A_172 : i32 to vector<16xi32>
        %parallel_loop3A_274 = arith.addi %mul3A_168, %parallel_loop3A_273 : vector<16xi32>
        %parallel_loop3A_275 = tpu.vector_load_idx %arg5[%parallel_loop3A_274] : memref<14365xi32, #tpu.memory_space<vmem>>[vector<16xi32>], vector<16xi32>,
        %parallel_loop3A_276 = vector.bitcast %parallel_loop3A_275 : vector<16xi32> to vector<32xbf16>
        %parallel_loop3A_277 = tpu.unpack_subelements %parallel_loop3A_276, 0 {pack_format = #tpu.pack_format<interleaved>} : vector<32xbf16> -> vector<16xf32>
        %parallel_loop3A_278 = tpu.unpack_subelements %parallel_loop3A_276, 1 {pack_format = #tpu.pack_format<interleaved>} : vector<32xbf16> -> vector<16xf32>
        %parallel_loop3A_279 = arith.addf %parallel_loop3A_271, %parallel_loop3A_277 : vector<16xf32>
        %parallel_loop3A_280 = arith.addf %parallel_loop3A_272, %parallel_loop3A_278 : vector<16xf32>
        %parallel_loop3A_281 = arith.constant 16 : i32
        %parallel_loop3A_282 = arith.muli %scan3A_34, %parallel_loop3A_281 : i32
        %parallel_loop3A_283 = arith.index_cast %parallel_loop3A_172 : i32 to index
        %parallel_loop3A_284 = arith.index_cast %parallel_loop3A_282 : i32 to index
        %parallel_loop3A_285 = tpu.vector_load %arg8[%parallel_loop3A_283, %parallel_loop3A_284] {strides = array<i32>} : memref<128x256xf32, #tpu.memory_space<vmem>>, vector<16xf32>,
        tpu.vector_store %arg8[%parallel_loop3A_283, %parallel_loop3A_284], %parallel_loop3A_279 {strides = array<i32>} : memref<128x256xf32, #tpu.memory_space<vmem>>, vector<16xf32>,
        %parallel_loop3A_286 = arith.constant 64 : i32
        %parallel_loop3A_287 = arith.addi %parallel_loop3A_172, %parallel_loop3A_286 : i32
        %parallel_loop3A_288 = arith.constant 16 : i32
        %parallel_loop3A_289 = arith.muli %scan3A_34, %parallel_loop3A_288 : i32
        %parallel_loop3A_290 = arith.index_cast %parallel_loop3A_287 : i32 to index
        %parallel_loop3A_291 = arith.index_cast %parallel_loop3A_289 : i32 to index
        %parallel_loop3A_292 = tpu.vector_load %arg8[%parallel_loop3A_290, %parallel_loop3A_291] {strides = array<i32>} : memref<128x256xf32, #tpu.memory_space<vmem>>, vector<16xf32>,
        tpu.vector_store %arg8[%parallel_loop3A_290, %parallel_loop3A_291], %parallel_loop3A_280 {strides = array<i32>} : memref<128x256xf32, #tpu.memory_space<vmem>>, vector<16xf32>,
      } {sc.loop_unroll_factor = 4 : i64, sc.parallel_access}
      %scan3A_171 = arith.constant 0 : i32
      scf.yield %scan3A_171 : i32
    }
    %scan3A_22 = arith.constant 16 : i32
    %dma_start3A_23 = arith.constant 0 : i32
    %dma_start3A_24 = tpu.memref_slice %arg4[%dma_start3A_23, %add3A_15] : memref<128x16384xf32, #tpu.memory_space<hbm>> -> memref<128x256xf32, #tpu.memory_space<hbm>>
    %dma_start3A_25 = arith.constant 0 : i32
    %dma_start3A_26 = tpu.memref_slice %arg4[%dma_start3A_25, %add3A_15] : memref<128x16384xf32, #tpu.memory_space<hbm>> -> memref<128x256xf32, #tpu.memory_space<hbm>>
    tpu.enqueue_dma source(%arg8 : memref<128x256xf32, #tpu.memory_space<vmem>>) target(%dma_start3A_26 : memref<128x256xf32, #tpu.memory_space<hbm>>) target_semaphore(%arg10 : memref<!tpu.dma_semaphore, #tpu.memory_space<semaphore_mem>>)
    %dma_wait3A = arith.constant 0 : i32
    %dma_wait3A_27 = tpu.memref_slice %arg4[%dma_wait3A, %add3A_4] : memref<128x16384xf32, #tpu.memory_space<hbm>> -> memref<128x256xf32, #tpu.memory_space<hbm>>
    %dma_wait3A_28 = arith.constant 0 : i32
    %dma_wait3A_29 = tpu.memref_slice %arg4[%dma_wait3A_28, %add3A_4] : memref<128x16384xf32, #tpu.memory_space<hbm>> -> memref<128x256xf32, #tpu.memory_space<hbm>>
    tpu.wait_dma2 semaphore(%arg9 : memref<!tpu.dma_semaphore, #tpu.memory_space<semaphore_mem>>) src(%arg7 : memref<128x256xf32, #tpu.memory_space<vmem>>) dst(%dma_wait3A_29 : memref<128x256xf32, #tpu.memory_space<hbm>>)
    %dma_wait3A_30 = arith.constant 0 : i32
    %dma_wait3A_31 = tpu.memref_slice %arg4[%dma_wait3A_30, %add3A_15] : memref<128x16384xf32, #tpu.memory_space<hbm>> -> memref<128x256xf32, #tpu.memory_space<hbm>>
    %dma_wait3A_32 = arith.constant 0 : i32
    %dma_wait3A_33 = tpu.memref_slice %arg4[%dma_wait3A_32, %add3A_15] : memref<128x16384xf32, #tpu.memory_space<hbm>> -> memref<128x256xf32, #tpu.memory_space<hbm>>
    tpu.wait_dma2 semaphore(%arg10 : memref<!tpu.dma_semaphore, #tpu.memory_space<semaphore_mem>>) src(%arg8 : memref<128x256xf32, #tpu.memory_space<vmem>>) dst(%dma_wait3A_33 : memref<128x256xf32, #tpu.memory_space<hbm>>)
    return
  }
}

module attributes {stable_mosaic.version = 14 : i64} {
  func.func @_tc_mlp_body(%arg0: i32, %arg1: memref<2048x13xf32, #tpu.memory_space<vmem>>, %arg2: memref<2048x13xf32, #tpu.memory_space<vmem>>, %arg3: memref<13x26xf32, #tpu.memory_space<vmem>>, %arg4: memref<1x26xf32, #tpu.memory_space<vmem>>, %arg5: memref<26x128xf32, #tpu.memory_space<vmem>>, %arg6: memref<1x128xf32, #tpu.memory_space<vmem>>, %arg7: memref<1x2xf32, #tpu.memory_space<smem>>, %arg8: memref<224x128xbf16, #tpu.memory_space<vmem>>, %arg9: memref<2048x128xf32, #tpu.memory_space<vmem>>) attributes {dimension_semantics = [#tpu.dimension_semantics<arbitrary>], iteration_bounds = array<i64: 8>, scalar_prefetch = 0 : i64, scratch_operands = 0 : i64, tpu.core_type = #tpu.core_type<tc>, window_params = [{transform_indices = @transform_0, window_bounds = array<i64: 2048, 13>}, {transform_indices = @transform_1, window_bounds = array<i64: 2048, 13>}, {pipeline_mode = #tpu.pipeline_mode<synchronous>, transform_indices = @transform_2, window_bounds = array<i64: 13, 26>}, {pipeline_mode = #tpu.pipeline_mode<synchronous>, transform_indices = @transform_3, window_bounds = array<i64: 1, 26>}, {pipeline_mode = #tpu.pipeline_mode<synchronous>, transform_indices = @transform_4, window_bounds = array<i64: 26, 128>}, {pipeline_mode = #tpu.pipeline_mode<synchronous>, transform_indices = @transform_5, window_bounds = array<i64: 1, 128>}, {transform_indices = @transform_6, window_bounds = array<i64: 1, 2>}, {pipeline_mode = #tpu.pipeline_mode<synchronous>, transform_indices = @transform_7, window_bounds = array<i64: 224, 128>}, {transform_indices = @transform_8, window_bounds = array<i64: 2048, 128>}]} {
    %get3A = arith.constant 0 : index
    %get3A_0 = arith.constant 0 : index
    %get3A_1 = vector.load %arg1[%get3A, %get3A_0] : memref<2048x13xf32, #tpu.memory_space<vmem>>, vector<2048x13xf32>
    %ne3A = arith.cmpf one, %get3A_1, %get3A_1 : vector<2048x13xf32>
    %jit3A = arith.constant 0.000000e+00 : f32
    %broadcast_in_dim3A = vector.broadcast %jit3A : f32 to vector<2048x13xf32>
    %select_n3A = arith.select %ne3A, %broadcast_in_dim3A, %get3A_1 : vector<2048x13xi1>, vector<2048x13xf32>
    %get3A_2 = arith.constant 0 : index
    %get3A_3 = arith.constant 0 : index
    %get3A_4 = vector.load %arg3[%get3A_2, %get3A_3] : memref<13x26xf32, #tpu.memory_space<vmem>>, vector<13x26xf32>
    %dot_general3A = arith.constant dense<0.000000e+00> : vector<2048x26xf32>
    %dot_general3A_5 = tpu.matmul %select_n3A, %get3A_4, %dot_general3A {dimension_numbers = #tpu.dot_dimension_numbers<[1], [0], [0], [1], [0, 0, 1, 1], [], []>, transpose_lhs_hint = false} : vector<2048x13xf32>, vector<13x26xf32>, vector<2048x26xf32> -> vector<2048x26xf32>
    %get3A_6 = arith.constant 0 : index
    %get3A_7 = arith.constant 0 : index
    %get3A_8 = vector.load %arg4[%get3A_6, %get3A_7] : memref<1x26xf32, #tpu.memory_space<vmem>>, vector<1x26xf32>
    %add3A = vector.broadcast %get3A_8 : vector<1x26xf32> to vector<2048x26xf32>
    %add3A_9 = arith.addf %dot_general3A_5, %add3A : vector<2048x26xf32>
    %max3A = arith.constant 0.000000e+00 : f32
    %max3A_10 = vector.broadcast %max3A : f32 to vector<2048x26xf32>
    %max3A_11 = arith.maximumf %add3A_9, %max3A_10 : vector<2048x26xf32>
    %get3A_12 = arith.constant 0 : index
    %get3A_13 = arith.constant 0 : index
    %get3A_14 = vector.load %arg5[%get3A_12, %get3A_13] : memref<26x128xf32, #tpu.memory_space<vmem>>, vector<26x128xf32>
    %dot_general3A_15 = arith.constant dense<0.000000e+00> : vector<2048x128xf32>
    %dot_general3A_16 = tpu.matmul %max3A_11, %get3A_14, %dot_general3A_15 {dimension_numbers = #tpu.dot_dimension_numbers<[1], [0], [0], [1], [0, 0, 1, 1], [], []>, transpose_lhs_hint = false} : vector<2048x26xf32>, vector<26x128xf32>, vector<2048x128xf32> -> vector<2048x128xf32>
    %get3A_17 = arith.constant 0 : index
    %get3A_18 = arith.constant 0 : index
    %get3A_19 = vector.load %arg6[%get3A_17, %get3A_18] : memref<1x128xf32, #tpu.memory_space<vmem>>, vector<1x128xf32>
    %add3A_20 = vector.broadcast %get3A_19 : vector<1x128xf32> to vector<2048x128xf32>
    %add3A_21 = arith.addf %dot_general3A_16, %add3A_20 : vector<2048x128xf32>
    %max3A_22 = arith.constant 0.000000e+00 : f32
    %max3A_23 = vector.broadcast %max3A_22 : f32 to vector<2048x128xf32>
    %max3A_24 = arith.maximumf %add3A_21, %max3A_23 : vector<2048x128xf32>
    %get3A_25 = arith.constant 0 : index
    %get3A_26 = arith.constant 0 : index
    %get3A_27 = memref.load %arg7[%get3A_25, %get3A_26] : memref<1x2xf32, #tpu.memory_space<smem>>
    %mul3A = vector.broadcast %get3A_27 : f32 to vector<2048x128xf32>
    %mul3A_28 = arith.mulf %max3A_24, %mul3A : vector<2048x128xf32>
    %get3A_29 = arith.constant 0 : index
    %get3A_30 = arith.constant 1 : index
    %get3A_31 = memref.load %arg7[%get3A_29, %get3A_30] : memref<1x2xf32, #tpu.memory_space<smem>>
    %add3A_32 = vector.broadcast %get3A_31 : f32 to vector<2048x128xf32>
    %add3A_33 = arith.addf %mul3A_28, %add3A_32 : vector<2048x128xf32>
    %iota3A = tpu.iota {dimensions = array<i32: 1>} : vector<13x224xi32>
    %iota3A_34 = tpu.iota {dimensions = array<i32: 0>} : vector<13x224xi32>
    %jit3A_35 = arith.constant 17 : i32
    %div3A = vector.broadcast %jit3A_35 : i32 to vector<13x224xi32>
    %div3A_36 = arith.divsi %iota3A, %div3A : vector<13x224xi32>
    %sign3A = arith.constant 0 : i32
    %sign3A_37 = vector.broadcast %sign3A : i32 to vector<13x224xi32>
    %sign3A_38 = arith.cmpi sgt, %iota3A, %sign3A_37 : vector<13x224xi32>
    %sign3A_39 = arith.extui %sign3A_38 : vector<13x224xi1> to vector<13x224xi32>
    %sign3A_40 = arith.constant 0 : i32
    %sign3A_41 = vector.broadcast %sign3A_40 : i32 to vector<13x224xi32>
    %sign3A_42 = arith.cmpi slt, %iota3A, %sign3A_41 : vector<13x224xi32>
    %sign3A_43 = arith.extui %sign3A_42 : vector<13x224xi1> to vector<13x224xi32>
    %sign3A_44 = arith.subi %sign3A_39, %sign3A_43 : vector<13x224xi32>
    %sign3A_45 = arith.constant 0 : i32
    %sign3A_46 = arith.cmpi sgt, %jit3A_35, %sign3A_45 : i32
    %sign3A_47 = arith.extui %sign3A_46 : i1 to i32
    %sign3A_48 = arith.constant 0 : i32
    %sign3A_49 = arith.cmpi slt, %jit3A_35, %sign3A_48 : i32
    %sign3A_50 = arith.extui %sign3A_49 : i1 to i32
    %sign3A_51 = arith.subi %sign3A_47, %sign3A_50 : i32
    %ne3A_52 = vector.broadcast %sign3A_51 : i32 to vector<13x224xi32>
    %ne3A_53 = arith.cmpi ne, %sign3A_44, %ne3A_52 : vector<13x224xi32>
    %rem3A = vector.broadcast %jit3A_35 : i32 to vector<13x224xi32>
    %rem3A_54 = arith.remsi %iota3A, %rem3A : vector<13x224xi32>
    %ne3A_55 = arith.constant 0 : i32
    %ne3A_56 = vector.broadcast %ne3A_55 : i32 to vector<13x224xi32>
    %ne3A_57 = arith.cmpi ne, %rem3A_54, %ne3A_56 : vector<13x224xi32>
    %and3A = arith.andi %ne3A_53, %ne3A_57 : vector<13x224xi1>
    %sub3A = arith.constant 1 : i32
    %sub3A_58 = vector.broadcast %sub3A : i32 to vector<13x224xi32>
    %sub3A_59 = arith.subi %div3A_36, %sub3A_58 : vector<13x224xi32>
    %select_n3A_60 = arith.select %and3A, %sub3A_59, %div3A_36 : vector<13x224xi1>, vector<13x224xi32>
    %eq3A = arith.cmpi eq, %select_n3A_60, %iota3A_34 : vector<13x224xi32>
    %convert_element_type3A = arith.extui %eq3A : vector<13x224xi1> to vector<13x224xi32>
    %convert_element_type3A_61 = arith.sitofp %convert_element_type3A : vector<13x224xi32> to vector<13x224xf32>
    %get3A_62 = arith.constant 0 : index
    %get3A_63 = arith.constant 0 : index
    %get3A_64 = vector.load %arg2[%get3A_62, %get3A_63] : memref<2048x13xf32, #tpu.memory_space<vmem>>, vector<2048x13xf32>
    %dot_general3A_65 = arith.constant dense<0.000000e+00> : vector<2048x224xf32>
    %dot_general3A_66 = tpu.matmul %get3A_64, %convert_element_type3A_61, %dot_general3A_65 {dimension_numbers = #tpu.dot_dimension_numbers<[1], [0], [0], [1], [0, 0, 1, 1], [], []>, transpose_lhs_hint = false} : vector<2048x13xf32>, vector<13x224xf32>, vector<2048x224xf32> -> vector<2048x224xf32>
    %iota3A_67 = tpu.iota {dimensions = array<i32: 1>} : vector<2048x224xi32>
    %convert_element_type3A_68 = arith.fptosi %dot_general3A_66 : vector<2048x224xf32> to vector<2048x224xi32>
    %eq3A_69 = arith.cmpi eq, %convert_element_type3A_68, %iota3A_67 : vector<2048x224xi32>
    %convert_element_type3A_70 = arith.extui %eq3A_69 : vector<2048x224xi1> to vector<2048x224xi32>
    %convert_element_type3A_71 = arith.sitofp %convert_element_type3A_70 : vector<2048x224xi32> to vector<2048x224xf32>
    %convert_element_type3A_72 = arith.truncf %convert_element_type3A_71 : vector<2048x224xf32> to vector<2048x224xbf16>
    %get3A_73 = arith.constant 0 : index
    %get3A_74 = arith.constant 0 : index
    %get3A_75 = vector.load %arg8[%get3A_73, %get3A_74] : memref<224x128xbf16, #tpu.memory_space<vmem>>, vector<224x128xbf16>
    %dot_general3A_76 = arith.constant dense<0.000000e+00> : vector<2048x128xf32>
    %dot_general3A_77 = tpu.matmul %convert_element_type3A_72, %get3A_75, %dot_general3A_76 {dimension_numbers = #tpu.dot_dimension_numbers<[1], [0], [0], [1], [0, 0, 1, 1], [], []>, transpose_lhs_hint = false} : vector<2048x224xbf16>, vector<224x128xbf16>, vector<2048x128xf32> -> vector<2048x128xf32>
    %add3A_78 = arith.addf %add3A_33, %dot_general3A_77 : vector<2048x128xf32>
    %swap3A = arith.constant 0 : index
    %swap3A_79 = arith.constant 0 : index
    %swap3A_80 = vector.load %arg9[%swap3A, %swap3A_79] : memref<2048x128xf32, #tpu.memory_space<vmem>>, vector<2048x128xf32>
    tpu.vector_store %arg9[%swap3A, %swap3A_79], %add3A_78 {strides = array<i32>} : memref<2048x128xf32, #tpu.memory_space<vmem>>, vector<2048x128xf32>,
    return
  }
  func.func @transform_0(%arg0: i32) -> (i32, i32) {
    %c0_i32 = arith.constant 0 : i32
    %c0_i32_0 = arith.constant 0 : i32
    return %arg0, %c0_i32 : i32, i32
  }
  func.func @transform_1(%arg0: i32) -> (i32, i32) {
    %c0_i32 = arith.constant 0 : i32
    %c0_i32_0 = arith.constant 0 : i32
    return %arg0, %c0_i32 : i32, i32
  }
  func.func @transform_2(%arg0: i32) -> (i32, i32) {
    %c0_i32 = arith.constant 0 : i32
    %c0_i32_0 = arith.constant 0 : i32
    %c0_i32_1 = arith.constant 0 : i32
    return %c0_i32, %c0_i32_0 : i32, i32
  }
  func.func @transform_3(%arg0: i32) -> (i32, i32) {
    %c0_i32 = arith.constant 0 : i32
    %c0_i32_0 = arith.constant 0 : i32
    %c0_i32_1 = arith.constant 0 : i32
    return %c0_i32, %c0_i32_0 : i32, i32
  }
  func.func @transform_4(%arg0: i32) -> (i32, i32) {
    %c0_i32 = arith.constant 0 : i32
    %c0_i32_0 = arith.constant 0 : i32
    %c0_i32_1 = arith.constant 0 : i32
    return %c0_i32, %c0_i32_0 : i32, i32
  }
  func.func @transform_5(%arg0: i32) -> (i32, i32) {
    %c0_i32 = arith.constant 0 : i32
    %c0_i32_0 = arith.constant 0 : i32
    %c0_i32_1 = arith.constant 0 : i32
    return %c0_i32, %c0_i32_0 : i32, i32
  }
  func.func @transform_6(%arg0: i32) -> (i32, i32) {
    %c0_i32 = arith.constant 0 : i32
    %c0_i32_0 = arith.constant 0 : i32
    %c0_i32_1 = arith.constant 0 : i32
    return %c0_i32, %c0_i32_0 : i32, i32
  }
  func.func @transform_7(%arg0: i32) -> (i32, i32) {
    %c0_i32 = arith.constant 0 : i32
    %c0_i32_0 = arith.constant 0 : i32
    %c0_i32_1 = arith.constant 0 : i32
    return %c0_i32, %c0_i32_0 : i32, i32
  }
  func.func @transform_8(%arg0: i32) -> (i32, i32) {
    %c0_i32 = arith.constant 0 : i32
    %c0_i32_0 = arith.constant 0 : i32
    return %arg0, %c0_i32 : i32, i32
  }
}

module attributes {stable_mosaic.version = 14 : i64} {
  func.func @_tc_add_body(%arg0: i32, %arg1: memref<2048x128xf32, #tpu.memory_space<vmem>>, %arg2: memref<128x2048xf32, #tpu.memory_space<vmem>>, %arg3: memref<2048x128xf32, #tpu.memory_space<vmem>>) attributes {dimension_semantics = [#tpu.dimension_semantics<arbitrary>], iteration_bounds = array<i64: 8>, scalar_prefetch = 0 : i64, scratch_operands = 0 : i64, tpu.core_type = #tpu.core_type<tc>, window_params = [{transform_indices = @transform_0, window_bounds = array<i64: 2048, 128>}, {transform_indices = @transform_1, window_bounds = array<i64: 128, 2048>}, {transform_indices = @transform_2, window_bounds = array<i64: 2048, 128>}]} {
    %get3A = arith.constant 0 : index
    %get3A_0 = arith.constant 0 : index
    %get3A_1 = vector.load %arg1[%get3A, %get3A_0] : memref<2048x128xf32, #tpu.memory_space<vmem>>, vector<2048x128xf32>
    %get3A_2 = arith.constant 0 : index
    %get3A_3 = arith.constant 0 : index
    %get3A_4 = vector.load %arg2[%get3A_2, %get3A_3] : memref<128x2048xf32, #tpu.memory_space<vmem>>, vector<128x2048xf32>
    %transpose3A = tpu.transpose %get3A_4, [1, 0] : vector<128x2048xf32> -> vector<2048x128xf32>
    %add3A = arith.addf %get3A_1, %transpose3A : vector<2048x128xf32>
    %swap3A = arith.constant 0 : index
    %swap3A_5 = arith.constant 0 : index
    %swap3A_6 = vector.load %arg3[%swap3A, %swap3A_5] : memref<2048x128xf32, #tpu.memory_space<vmem>>, vector<2048x128xf32>
    tpu.vector_store %arg3[%swap3A, %swap3A_5], %add3A {strides = array<i32>} : memref<2048x128xf32, #tpu.memory_space<vmem>>, vector<2048x128xf32>,
    return
  }
  func.func @transform_0(%arg0: i32) -> (i32, i32) {
    %c0_i32 = arith.constant 0 : i32
    %c0_i32_0 = arith.constant 0 : i32
    return %arg0, %c0_i32 : i32, i32
  }
  func.func @transform_1(%arg0: i32) -> (i32, i32) {
    %c0_i32 = arith.constant 0 : i32
    %c0_i32_0 = arith.constant 0 : i32
    return %c0_i32, %arg0 : i32, i32
  }
  func.func @transform_2(%arg0: i32) -> (i32, i32) {
    %c0_i32 = arith.constant 0 : i32
    %c0_i32_0 = arith.constant 0 : i32
    return %arg0, %c0_i32 : i32, i32
  }
}

</mosaic_0001>

<sc_bundles>
// kernel: kernel.5.cloned.1.call-start
scs
__scs_entry_jumppad:
0x0: {  	(pc) =	sbr.rel $0x88, $3  }
0x1: {  	(tag) =	ssettag $0x0;
	lr =	simm.s32 $0x1  }
0x2: {  	[smem:$0x3F5A] =	sst lr;
	_ =	strace $0xD0000000  }
0x3: {  	_ = 	snop  }
0x4: {  	_ = 	snop  }
0x5: {  	_ = 	snop  }
0x6: {  	_ = 	snop  }
0x7: {  	_ = 	snop  }
__scs_overlays_trampoline_lowered:
0x8: {  	[smem:$0x3F69] =	sst s0  }
0x9: {  	[smem:$0x3F6A] =	sst s1  }
0xa: {  	[smem:$0x3F6B] =	sst s2  }
0xb: {  	[smem:$0x3F6C] =	sst s3  }
0xc: {  	[smem:$0x3F6D] =	sst s4  }
0xd: {  	[smem:$0x3F6E] =	sst s5  }
0xe: {  	[smem:$0x3F6F] =	sst s6  }
0xf: {  	[smem:$0x3F70] =	sst s7  }
0x10: {  	[smem:$0x3F71] =	sst s8  }
0x11: {  	[smem:$0x3F72] =	sst s9;
	s0 =	simm.s32 @!p0 $0x0  }
0x12: {  	s1 =	sld [smem:$0x3F58];
	s0 =	simm.s32 @p0 $0x1  }
0x13: {  	[smem:$0x3F73] =	sst s0;
	s0 =	simm.s32 @!p1 $0x0  }
0x14: {  	s2 =	sld [smem:$0x3F57];
	s0 =	simm.s32 @p1 $0x1  }
0x15: {  	[smem:$0x3F74] =	sst s0;
	s0 =	simm.s32 @!p2 $0x0  }
0x16: {  	s3 =	sld [smem:$0x3FDB];
	s0 =	simm.s32 @p2 $0x1  }
0x17: {  	s4 =	simm.s32 $0x1BF5;
	[smem:$0x3F76] =	sst s0  }
0x18: {  	s0 =	sld [smem:$0x3F59];
	_ =	swait.ge [sflag:s4], $0x0  }
0x19: {  	s7 =	sld [smem:$0x3F5A]  }
0x1a: {  	s8 =	sadd.s32 $0xFFFFE003, lr  }
0x1b: {  	s9 =	sadd.s32 $0xFFFFFEF7, lr;
	s5 =	simm.s32 $0xFFFFFFFF;
	p2 =	slt.u32 s8, $0xFFFFF086  }
0x1c: {  	p1 =	slt.u32 s9, $0xF7A;
	s5 =	simm.s32 @!p2 $0x0  }
0x1d: {  	s5 =	simm.s32 @p1 $0x1;
	p0 =	seq.s32 s7, s2  }
0x1e: {  	s7 =	smul.u32 @!p0 $0xF7A, s2;
	p2 =	seq.s32 @!p0 s5, $0x0  }
0x1f: {  	s9 =	smul.u32 $0xF7A, s1;
	s8 =	simm.s32 @!p0 $0x1BF5;
	p2 =	por !p2, p0  }
0x20: {  	[sflag:s8] =	ssyncset.s32 @!p0 $0xFFFFF086;
	s6 =	sadd.s32 @!p0 s3, s7;
	s7 =	simm.s32 @!p0 $0x108  }
0x21: {  	s3 =	sadd.s32 s3, s9;
	s6 =	sadd.s32 @!p0 $0x88, s6;
	s7 =	simm.s32 @p2 $0x1082  }
0x22: {  	[simem:s7], [sflag:s8] =	dma.local @!p0 [hbm:s6], $0xF7A  }
0x23: {  	s9 =	sor.u32 $0xD0000000, s2;
	s6 =	simm.s32 $0x108;
	_ =	swait.ge @!p0 [sflag:s8], $0x0  }
0x24: {  	s3 =	sadd.s32 $0x88, s3;
	s6 =	simm.s32 @!p1 $0x1082;
	[sflag:s4] =	ssyncset.s32 $0xFFFFF086  }
0x25: {  	[simem:s6], [sflag:s4] =	dma.local [hbm:s3], $0xF7A  }
0x26: {  	[smem:$0x3F5A] =	sst s1;
	(tag) =	ssettag s2;
	_ =	strace s9  }
0x27: {  	s1 =	sld [smem:$0x3F6A]  }
0x28: {  	s2 =	sld [smem:$0x3F6B]  }
0x29: {  	s4 =	sld [smem:$0x3F6D]  }
0x2a: {  	p0 =	seq.s32 s5, $0x0;
	s5 =	sld [smem:$0x3F6E]  }
0x2b: {  	s6 =	sld [smem:$0x3F6F]  }
0x2c: {  	s7 =	sld [smem:$0x3F70]  }
0x2d: {  	s3 =	simm.s32 $0x108;
	s8 =	sld [smem:$0x3F71]  }
0x2e: {  	s3 =	simm.s32 @!p0 $0x1082;
	s9 =	sld [smem:$0x3F72]  }
0x2f: {  	lr =	sadd.s32 s0, s3;
	s0 =	sld [smem:$0x3F69]  }
0x30: {  	s3 =	sld [smem:$0x3F6C]  }
0x31: {  	[smem:$0x3F75] =	sst s10  }
0x32: {  	s10 =	sld [smem:$0x3F73];
	_ =	sdelay $0x3  }
0x33: {  	p0 =	seq.s32 s10, $0x1;
	s10 =	sld [smem:$0x3F75];
	_ =	sdelay $0x3  }
0x34: {  	[smem:$0x3F75] =	sst s10  }
0x35: {  	s10 =	sld [smem:$0x3F74];
	_ =	sdelay $0x3  }
0x36: {  	p1 =	seq.s32 s10, $0x1;
	s10 =	sld [smem:$0x3F75];
	_ =	sdelay $0x3  }
0x37: {  	[smem:$0x3F75] =	sst s10  }
0x38: {  	s10 =	sld [smem:$0x3F76]  }
0x39: {  	_ = 	snop;
	(pc) =	sbr.ind lr, $3  }
0x3a: {  	_ = 	snop  }
0x3b: {  	_ = 	snop  }
0x3c: {  	p2 =	seq.s32 s10, $0x1;
	s10 =	sld [smem:$0x3F75]  }
0x3d: {  	_ =	shalt  }
0x3e: {  	_ =	shalt  }
0x3f: {  	_ =	shalt  }
0x40: {  	_ =	shalt  }
0x41: {  	_ =	shalt  }
0x42: {  	_ =	shalt  }
0x43: {  	_ =	shalt  }
0x44: {  	_ =	shalt  }
0x45: {  	_ =	shalt  }
0x46: {  	_ =	shalt  }
0x47: {  	_ =	shalt  }
0x48: {  	_ =	shalt  }
0x49: {  	_ =	shalt  }
0x4a: {  	_ =	shalt  }
0x4b: {  	_ =	shalt  }
0x4c: {  	_ =	shalt  }
0x4d: {  	_ =	shalt  }
0x4e: {  	_ =	shalt  }
0x4f: {  	_ =	shalt  }
0x50: {  	_ =	shalt  }
0x51: {  	_ =	shalt  }
0x52: {  	_ =	shalt  }
0x53: {  	_ =	shalt  }
0x54: {  	_ =	shalt  }
0x55: {  	_ =	shalt  }
0x56: {  	_ =	shalt  }
0x57: {  	_ =	shalt  }
0x58: {  	_ =	shalt  }
0x59: {  	_ =	shalt  }
0x5a: {  	_ =	shalt  }
0x5b: {  	_ =	shalt  }
0x5c: {  	_ =	shalt  }
0x5d: {  	_ =	shalt  }
0x5e: {  	_ =	shalt  }
0x5f: {  	_ =	shalt  }
0x60: {  	_ =	shalt  }
0x61: {  	_ =	shalt  }
0x62: {  	_ =	shalt  }
0x63: {  	_ =	shalt  }
0x64: {  	_ =	shalt  }
0x65: {  	_ =	shalt  }
0x66: {  	_ =	shalt  }
0x67: {  	_ =	shalt  }
0x68: {  	_ =	shalt  }
0x69: {  	_ =	shalt  }
0x6a: {  	_ =	shalt  }
0x6b: {  	_ =	shalt  }
0x6c: {  	_ =	shalt  }
0x6d: {  	_ =	shalt  }
0x6e: {  	_ =	shalt  }
0x6f: {  	_ =	shalt  }
0x70: {  	_ =	shalt  }
0x71: {  	_ =	shalt  }
0x72: {  	_ =	shalt  }
0x73: {  	_ =	shalt  }
0x74: {  	_ =	shalt  }
0x75: {  	_ =	shalt  }
0x76: {  	_ =	shalt  }
0x77: {  	_ =	shalt  }
0x78: {  	_ =	shalt  }
0x79: {  	_ =	shalt  }
0x7a: {  	_ =	shalt  }
0x7b: {  	_ =	shalt  }
0x7c: {  	_ =	shalt  }
0x7d: {  	_ =	shalt  }
0x7e: {  	_ =	shalt  }
0x7f: {  	_ =	shalt  }
0x80: {  	_ =	shalt  }
0x81: {  	_ =	shalt  }
0x82: {  	_ =	shalt  }
0x83: {  	_ =	shalt  }
0x84: {  	_ =	shalt  }
0x85: {  	_ =	shalt  }
0x86: {  	_ =	shalt  }
0x87: {  	_ =	shalt  }
.Lfunc_end0:
.L_simem_size_0:
called_computation_lowered:
.L_overlay_start_0:
0x88: {  	s2 =	sld [smem:$0x3FD9]  }
0x89: {  	s3 =	sld [smem:$0x3FFE];
	_ =	sdelay $0x1  }
0x8a: {  	s1 =	srdreg.scid  }
0x8b: {  	s0 =	sand.u32 $0x1, s1  }
0x8c: {  	s16 =	sshll.u32 s0, $0xA;
	s2 =	sadd.s32 s3, s2  }
0x8d: {  	s2 =	sadd.s32 s2, s16  }
0x8e: {  	[smem:$0x3F81] =	sst s2  }
0x8f: {  	_ = 	snop  }
0x90: {  	(tm) =	ssettm $0x1  }
0x91: {  	s17 =	sld [smem:$0x3FFB];
	_ =	sdelay $0x3  }
0x92: {  	_ =	strace s17  }
0x93: {  	s2 =	sld [smem:$0x3FFC];
	_ =	sdelay $0x3  }
0x94: {  	_ =	strace s2  }
0x95: {  	s2 =	sld [smem:$0x3FFD];
	_ =	sdelay $0x3  }
0x96: {  	_ =	strace s2  }
0x97: {  	_ =	strace $0x8FFFFFFF  }
0x98: {  	s18 =	sld [smem:$0x3FDB];
	_ =	sdelay $0x1  }
0x99: {  	s19 =	simm.s32 $_scs_section_size  }
0x9a: {  	s4 =	simm.s32 $_size__tile_overlayer_lowered;
	s5 =	simm.s32 $_tile_overlayer_lowered  }
0x9b: {  	s22 =	simm.s32 $0x1BFF;
	s21 =	sshll.u32 s5, $0x1;
	s2 =	sadd.s32 s19, s18  }
0x9c: {  	s6 =	simm.s32 $0x0;
	s20 =	sshll.u32 s4, $0x1;
	s4 =	sadd.s32 s21, s2  }
0x9d: {  	[timem:s6], [sflag:s22] =	dma.local [hbm:s4], s20  }
0x9e: {  	_ =	swait.ge [sflag:s22], s20  }
0x9f: {  	s3 =	ssub.s32 $0x0, s20;
	[sflag:s22] =	ssyncset.done $0x0  }
0xa0: {  	[sflag:s22] =	ssyncadd.s32 s3;
	_ =	sdelay $0x1  }
0xa1: {  	s23 =	simm.s32 $0x1B8B  }
0xa2: {  	_ =	swait.ge [sflag:s23], $0x1  }
0xa3: {  	[sflag:s23] =	ssyncset.done $0x0  }
0xa4: {  	s25 =	simm.s32 $0x1B8E;
	s24 =	sld [smem:$0x3FFE];
	[sflag:s23] =	ssyncadd.s32 $0xFFFFFFFF  }
0xa5: {  	s26 =	simm.s32 $execute0_lowered;
	[smem:$0x3FD2] =	sst s25  }
0xa6: {  	s4 =	sshll.u32 s26, $0x1;
	_ =	strace $0x80000046;
	[dreg:$0x1] =	wrdreg $0xFFFFFFFF  }
0xa7: {  	s28 =	simm.s32 $_size_execute0_lowered;
	s2 =	sadd.s32 s2, s4;
	[dreg:$0x0] =	wrdreg $0x0  }
0xa8: {  	s4 =	sshll.u32 s28, $0x1;
	[dreg:$0x2] =	wrdreg s2  }
0xa9: {  	[dreg:$0x3] =	wrdreg s4  }
0xaa: {  	[dreg:$0x4] =	wrdreg $0xC0  }
0xab: {  	_ =	task [dreg:s6], $0x5FFFF  }
0xac: {  	[dreg:$0x1] =	wrdreg $0xFFFFFFFF  }
0xad: {  	[dreg:$0x0] =	wrdreg $0x60  }
0xae: {  	[dreg:$0x2] =	wrdreg s24  }
0xaf: {  	[dreg:$0x3] =	wrdreg $0x9  }
0xb0: {  	_ =	task.clear_ibuf [dreg:s6], $0x4FFFF;
	_ =	strace $0x90000046  }
0xb1: {  	s29 =	simm.s32 $0x9;
	_ =	strace $0x80000048  }
0xb2: {  	_ =	swait.ge [sflag:s29], $0x1  }
0xb3: {  	[sflag:s29] =	ssyncadd.s32 $0xFFFFFFFF  }
0xb4: {  	_ =	strace $0x90000048  }
0xb5: {  	_ =	sfence  }
0xb6: {  	s30 =	sld [smem:$0x0];
	_ =	sdelay $0x2  }
0xb7: {  	s31 =	sshll.u32 s1, $0xD;
	s1 =	sshrl.u32 s1, $0x2  }
0xb8: {  	s3 =	sand.u32 $0x4000, s31;
	s1 =	sadd.s32 s1, s30  }
0xb9: {  	s0 =	sor.u32 s3, s0;
	s1 =	sshll.u32 s1, $0x11  }
0xba: {  	s0 =	sor.u32 s1, s0  }
0xbb: {  	s0 =	sadd.s32 $0x8F2B, s0  }
0xbc: {  	[sflag:s0] =	ssyncadd.remote.s32 $0x1  }
0xbd: {  	_ =	sfence.sel $0xFFFF  }
0xbe: {  	[dreg:$0x0] =	wrdreg $0xFFFFFFFF;
	(pc) =	sbr.abs _section_cstart, $3  }
0xbf: {  	[dreg:$0x1] =	wrdreg $0xFFFFFFFF  }
0xc0: {  	_ =	task.clear_ibuf [dreg:s6], $0x2FFFF;
	_ =	strace $0x9FFFFFFF  }
0xc1: {  	(tm) =	ssettm $0x7FFFFFFF  }
tec
execute0_lowered:
.L_overlay_start_1:
0x0: {  	(tag) =	ssettag $0x1  }
0x1: {  	s4 =	rddreg [dreg:$0x0];
	s3 =	srdreg.scid  }
0x2: {  	s2 =	simm.s32 $0x0;
	s0 =	stileid.u32;
	s10 =	simm.s32 $0x20000  }
0x3: {  	s12 =	simm.s32 $0x800;
	s14 =	simm.s32 $0xD880;
	s15 =	simm.s32 $0x1  }
0x4: {  	s16 =	simm.s32 $0x2;
	s17 =	simm.s32 $0x0;
	s3 =	sand.u32 $0x1, s3  }
0x5: {  	[smem:$0x7FF] =	sst s2;
	s5 =	sshll.u32 s0, $0xA;
	s6 =	sshll.u32 s3, $0x9  }
0x6: {  	_ =	strace $0x80000047;
	s30 =	ssub.s32 $0x2, s3;
	s5 =	sor.u32 s6, s5  }
0x7: {  	s3 =	sadd.s32 $0x5C00, s4;
	s31 =	sshrl.u32 s30, $0x1;
	s7 =	sadd.s32 s5, s4  }
0x8: {  	s8 =	ssub.s32 s30, s31;
	s4 =	sadd.s32 $0x6400, s7;
	s5 =	sadd.s32 $0xE400, s7  }
0x9: {  	s6 =	sadd.s32 $0xE500, s7;
	s7 =	smax.u32 s8, $0x1;
	s8 =	simm.s32 $0x3  }
.LBB2_1:
0xa: {  	[tilespmem:s2], [sflag:$0x3] =	stream.linear.gather [hbm4b:s3+s2], $0x3880, $0x38;
	[tilespmem:$0x15880] =	vst v63  }
0xb: {  	_ =	swait.ge [sflag:s8], $0x3880  }
0xc: {  	[sflag:s8] =	ssyncset.done $0x0  }
0xd: {  	s0 =	simm.s32 $0x1000;
	s1 =	simm.s32 $0x3880;
	[sflag:s8] =	ssyncadd.s32 $0xFFFFC780  }
0xe: {  	[tilespmem:s1], [sflag:$0x3] =	stream.strided.gather [hbm4b:s4+s0], $0x2000, s10, s0, $0x38;
	[tilespmem:$0x15880] =	vst v63  }
0xf: {  	_ =	swait.ge [sflag:s8], $0x2000  }
0x10: {  	[sflag:s8] =	ssyncset.done $0x0  }
0x11: {  	s18 =	simm.s32 $0x0;
	[sflag:s8] =	ssyncadd.s32 $0xFFFFE000  }
.LBB2_2:
0x12: {  	s20 =	sshll.u32 s18, $0x4;
	s21 =	sshll.u32 s18, $0x7  }
0x13: {  	s22 =	sand.u32 $0x70, s20;
	s19 =	sand.u32 $0x400, s21  }
0x14: {  	s23 =	sor.u32 s22, s19  }
0x15: {  	v0 =	vld [tilespmem:s23+$0x3880]  }
0x16: {  	v1 =	vld [tilespmem:s23+$0x3900]  }
0x17: {  	v2 =	vld [tilespmem:s23+$0x3980]  }
0x18: {  	v4 =	vld [tilespmem:s23+$0x3A80]  }
0x19: {  	v3 =	vld [tilespmem:s23+$0x3A00]  }
0x1a: {  	s20 =	sor.u32 s21, s20;
	v5 =	vld [tilespmem:s23+$0x3B00]  }
0x1b: {  	s20 =	sor.u32 $0x380, s20;
	v6 =	vld [tilespmem:s23+$0x4A80];
	v27 =	vmul.u32 $0x41, v0;
	v0 =	vmul.u32 $0x41, v1  }
0x1c: {  	v7 =	vld [tilespmem:s20+$0x3880];
	v2 =	vmul.u32 $0x41, v2  }
0x1d: {  	v1 =	vld [tilespmem:s23+$0x3B80];
	v54 =	vadd.s32 $0x451, v0;
	v57 =	vadd.s32 $0x455, v0;
	v0 =	vmul.u32 $0x41, v4  }
0x1e: {  	v3 =	vmul.u32 $0x41, v3;
	v55 =	vadd.s32 $0x8A2, v2;
	v4 =	vld [tilespmem:s23+$0x4A00];
	v62 =	vadd.s32 $0x8A6, v2  }
0x1f: {  	v2 =	vmul.u32 $0x41, v5;
	v5 =	vld [tilespmem:s23+$0x4980];
	v52 =	vadd.s32 $0x1144, v0;
	v0 =	vadd.s32 $0x1148, v0  }
0x20: {  	v6 =	vmul.u32 $0x41, v6;
	[tilespmem:$0x1FF90] =	vst v0;
	v0 =	vld [tilespmem:s23+$0x4900]  }
0x21: {  	v53 =	vadd.s32 $0xCF3, v3;
	v59 =	vadd.s32 $0xCF7, v3;
	v3 =	vld [tilespmem:s23+$0x4880]  }
0x22: {  	s29 =	simm.s32 $0x2;
	v10 =	vadd.s32 $0x33CC, v6;
	v49 =	vadd.s32 $0x1595, v2;
	v1 =	vmul.u32 $0x41, v1  }
0x23: {  	v60 =	vadd.s32 $0x1599, v2;
	v2 =	vmul.u32 $0x41, v7;
	v7 =	vadd.s32 s29, v10  }
0x24: {  	s28 =	simm.s32 $0x1;
	v48 =	vadd.s32 $0x19E6, v1;
	v61 =	vadd.s32 $0x19EA, v1;
	v1 =	vmul.u32 $0x41, v4  }
0x25: {  	v4 =	vmul.u32 $0x41, v5;
	v5 =	vadd.s32 s28, v10;
	v0 =	vmul.u32 $0x41, v0  }
0x26: {  	v43 =	vadd.s32 $0x1E37, v2;
	v63 =	vadd.s32 $0x1E3B, v2;
	v3 =	vmul.u32 $0x41, v3  }
0x27: {  	v11 =	vadd.s32 $0x2F7B, v1;
	v46 =	vadd.s32 $0x26D9, v0;
	v0 =	vadd.s32 $0x26DD, v0  }
0x28: {  	v12 =	vadd.s32 $0x2B2A, v4;
	v8 =	vadd.s32 s28, v11;
	[tilespmem:$0x1FFA0] =	vst v0;
	v0 =	vadd.s32 $0x2B2E, v4  }
0x29: {  	v47 =	vadd.s32 $0x2288, v3;
	v1 =	vadd.s32 $0x2F7F, v1;
	v2 =	vadd.s32 s28, v12;
	[tilespmem:$0x1FFB0] =	vst v0  }
0x2a: {  	v58 =	vadd.s32 $0x228C, v3;
	v3 =	vadd.s32 s29, v12;
	v4 =	vld.idx.msk [tilespmem:v5+s2+$0x0], $0xffff;
	[tilespmem:$0x1FFC0] =	vst v1;
	v1 =	vadd.s32 $0x33D0, v6  }
0x2b: {  	v0 =	vadd.s32 s28, v46;
	[tilespmem:$0x1FFD0] =	vst v1  }
0x2c: {  	v6 =	vadd.s32 s28, v47;
	v5 =	vld.idx.msk [tilespmem:v7+s2+$0x0], $0xffff  }
0x2d: {  	v13 =	vadd.s32 s28, v27;
	v7 =	vld.idx.msk [tilespmem:v8+s2+$0x0], $0xffff  }
0x2e: {  	v21 =	vadd.s32 s29, v27;
	v14 =	vadd.s32 s28, v54;
	v1 =	vadd.s32 s29, v46;
	v2 =	vld.idx.msk [tilespmem:v2+s2+$0x0], $0xffff  }
0x2f: {  	v22 =	vadd.s32 s28, v53;
	v24 =	vadd.s32 s28, v55;
	v25 =	vadd.s32 s29, v55;
	v3 =	vld.idx.msk [tilespmem:v3+s2+$0x0], $0xffff  }
0x30: {  	v41 =	vadd.s32 s29, v54;
	v42 =	vadd.s32 s29, v53;
	v18 =	vadd.s32 s28, v49;
	v0 =	vld.idx.msk [tilespmem:v0+s2+$0x0], $0xffff  }
0x31: {  	v19 =	vadd.s32 s29, v49;
	v20 =	vadd.s32 s28, v52;
	v23 =	vadd.s32 s29, v52;
	v6 =	vld.idx.msk [tilespmem:v6+s2+$0x0], $0xffff  }
0x32: {  	v9 =	vadd.s32 s28, v43;
	v44 =	vunpack.i.u.bf16.f32 v4;
	v29 =	vunpack.i.l.bf16.f32 v4;
	v4 =	vld.idx.msk [tilespmem:v13+s2+$0x0], $0xffff  }
0x33: {  	v16 =	vadd.s32 s29, v43;
	v15 =	vadd.s32 s28, v48;
	v17 =	vadd.s32 s29, v48;
	v1 =	vld.idx.msk [tilespmem:v1+s2+$0x0], $0xffff  }
0x34: {  	v8 =	vadd.s32 s29, v47;
	v26 =	vunpack.i.u.bf16.f32 v5;
	v28 =	vunpack.i.l.bf16.f32 v5;
	v5 =	vld.idx.msk [tilespmem:v14+s2+$0x0], $0xffff  }
0x35: {  	v30 =	vunpack.i.u.bf16.f32 v7;
	v33 =	vunpack.i.u.bf16.f32 v2;
	v36 =	vunpack.i.l.bf16.f32 v2;
	v2 =	vld.idx.msk [tilespmem:v21+s2+$0x0], $0xffff  }
0x36: {  	v31 =	vunpack.i.l.bf16.f32 v7;
	v34 =	vunpack.i.u.bf16.f32 v3;
	v35 =	vunpack.i.l.bf16.f32 v3  }
0x37: {  	v9 =	vld.idx.msk [tilespmem:v9+s2+$0x0], $0xffff;
	v38 =	vunpack.i.u.bf16.f32 v0;
	v40 =	vunpack.i.l.bf16.f32 v0;
	v13 =	vunpack.i.u.bf16.f32 v6  }
0x38: {  	v0 =	vld.idx.msk [tilespmem:v41+s2+$0x0], $0xffff;
	v14 =	vunpack.i.l.bf16.f32 v6;
	v3 =	vunpack.i.l.bf16.f32 v4;
	v4 =	vunpack.i.u.bf16.f32 v4  }
0x39: {  	v7 =	vld.idx.msk [tilespmem:v27+s2+$0x0], $0xffff;
	v37 =	vunpack.i.u.bf16.f32 v1;
	v39 =	vunpack.i.l.bf16.f32 v1;
	v3 =	vadd.f32 $0.0e+00, v3  }
0x3a: {  	v1 =	vld.idx.msk [tilespmem:v24+s2+$0x0], $0xffff;
	v4 =	vadd.f32 $0.0e+00, v4;
	v6 =	vunpack.i.u.bf16.f32 v5;
	v24 =	vunpack.i.l.bf16.f32 v2  }
0x3b: {  	v5 =	vunpack.i.l.bf16.f32 v5;
	v2 =	vunpack.i.u.bf16.f32 v2;
	v24 =	vadd.f32 $0.0e+00, v24  }
0x3c: {  	v21 =	vld.idx.msk [tilespmem:v25+s2+$0x0], $0xffff;
	v51 =	vunpack.i.u.bf16.f32 v9;
	v3 =	vadd.f32 v5, v3;
	v2 =	vadd.f32 $0.0e+00, v2  }
0x3d: {  	v5 =	vld.idx.msk [tilespmem:v54+s2+$0x0], $0xffff;
	v4 =	vadd.f32 v6, v4;
	v6 =	vunpack.i.l.bf16.f32 v0;
	v0 =	vunpack.i.u.bf16.f32 v0  }
0x3e: {  	v8 =	vld.idx.msk [tilespmem:v8+s2+$0x0], $0xffff;
	v9 =	vunpack.i.l.bf16.f32 v9;
	v6 =	vadd.f32 v6, v24;
	v0 =	vadd.f32 v0, v2  }
0x3f: {  	v22 =	vld.idx.msk [tilespmem:v22+s2+$0x0], $0xffff;
	v2 =	vunpack.i.l.bf16.f32 v7;
	v7 =	vunpack.i.u.bf16.f32 v7;
	v24 =	vunpack.i.u.bf16.f32 v1  }
0x40: {  	v25 =	vld.idx.msk [tilespmem:v42+s2+$0x0], $0xffff;
	v1 =	vunpack.i.l.bf16.f32 v1;
	v2 =	vadd.f32 $0.0e+00, v2;
	v7 =	vadd.f32 $0.0e+00, v7  }
0x41: {  	v16 =	vld.idx.msk [tilespmem:v16+s2+$0x0], $0xffff;
	v1 =	vadd.f32 v1, v3;
	v3 =	vunpack.i.u.bf16.f32 v21;
	v21 =	vunpack.i.l.bf16.f32 v21  }
0x42: {  	v20 =	vld.idx.msk [tilespmem:v20+s2+$0x0], $0xffff;
	v4 =	vadd.f32 v24, v4;
	v24 =	vunpack.i.l.bf16.f32 v5;
	v6 =	vadd.f32 v21, v6  }
0x43: {  	v21 =	vld.idx.msk [tilespmem:v55+s2+$0x0], $0xffff;
	v3 =	vadd.f32 v3, v0;
	v5 =	vunpack.i.u.bf16.f32 v5;
	v0 =	vunpack.i.l.bf16.f32 v8  }
0x44: {  	v2 =	vadd.f32 v24, v2;
	v24 =	vld.idx.msk [tilespmem:v15+s2+$0x0], $0xffff;
	v15 =	vunpack.i.u.bf16.f32 v8;
	v5 =	vadd.f32 v5, v7  }
0x45: {  	v7 =	vunpack.i.l.bf16.f32 v22;
	v8 =	vld.idx.msk [tilespmem:v23+s2+$0x0], $0xffff;
	v22 =	vunpack.i.u.bf16.f32 v22;
	v23 =	vunpack.i.u.bf16.f32 v25  }
0x46: {  	v1 =	vadd.f32 v7, v1;
	v7 =	vunpack.i.l.bf16.f32 v25;
	v4 =	vadd.f32 v22, v4  }
0x47: {  	v22 =	vld.idx.msk [tilespmem:v53+s2+$0x0], $0xffff;
	v3 =	vadd.f32 v23, v3;
	v23 =	vunpack.i.u.bf16.f32 v16;
	v16 =	vunpack.i.l.bf16.f32 v16  }
0x48: {  	v18 =	vld.idx.msk [tilespmem:v18+s2+$0x0], $0xffff;
	v6 =	vadd.f32 v7, v6;
	v7 =	vunpack.i.l.bf16.f32 v21;
	v21 =	vunpack.i.u.bf16.f32 v21  }
0x49: {  	v2 =	vadd.f32 v7, v2;
	v7 =	vunpack.i.u.bf16.f32 v24;
	v24 =	vunpack.i.l.bf16.f32 v24  }
0x4a: {  	v19 =	vld.idx.msk [tilespmem:v19+s2+$0x0], $0xffff;
	v5 =	vadd.f32 v21, v5;
	v21 =	vunpack.i.l.bf16.f32 v20;
	v20 =	vunpack.i.u.bf16.f32 v20  }
0x4b: {  	v1 =	vadd.f32 v21, v1;
	v21 =	vunpack.i.l.bf16.f32 v8;
	v4 =	vadd.f32 v20, v4  }
0x4c: {  	v17 =	vld.idx.msk [tilespmem:v17+s2+$0x0], $0xffff;
	v8 =	vunpack.i.u.bf16.f32 v8;
	v6 =	vadd.f32 v21, v6;
	v21 =	vunpack.i.l.bf16.f32 v22  }
0x4d: {  	s30 =	simm.s32 $0x3;
	v20 =	vld.idx.msk [tilespmem:v52+s2+$0x0], $0xffff;
	v3 =	vadd.f32 v8, v3;
	v8 =	vunpack.i.u.bf16.f32 v18;
	v22 =	vunpack.i.u.bf16.f32 v22  }
0x4e: {  	v18 =	vunpack.i.l.bf16.f32 v18;
	v2 =	vadd.f32 v21, v2;
	v21 =	vadd.s32 s30, v27  }
0x4f: {  	v5 =	vadd.f32 v22, v5;
	v1 =	vadd.f32 v18, v1;
	v18 =	vunpack.i.l.bf16.f32 v19  }
0x50: {  	v4 =	vadd.f32 v8, v4;
	v19 =	vunpack.i.u.bf16.f32 v19;
	v6 =	vadd.f32 v18, v6  }
0x51: {  	v8 =	vld.idx.msk [tilespmem:v49+s2+$0x0], $0xffff;
	v3 =	vadd.f32 v19, v3;
	v19 =	vunpack.i.u.bf16.f32 v17;
	v17 =	vunpack.i.l.bf16.f32 v17  }
0x52: {  	v1 =	vadd.f32 v24, v1;
	v4 =	vadd.f32 v7, v4;
	v18 =	vunpack.i.l.bf16.f32 v20  }
0x53: {  	v20 =	vunpack.i.u.bf16.f32 v20;
	v6 =	vadd.f32 v17, v6;
	v3 =	vadd.f32 v19, v3  }
0x54: {  	v22 =	vadd.s32 s30, v54;
	v2 =	vadd.f32 v18, v2;
	v5 =	vadd.f32 v20, v5  }
0x55: {  	v18 =	vadd.s32 s30, v55;
	v1 =	vadd.f32 v9, v1;
	v4 =	vadd.f32 v51, v4  }
0x56: {  	v24 =	vunpack.i.u.bf16.f32 v8;
	v8 =	vunpack.i.l.bf16.f32 v8;
	v6 =	vadd.f32 v16, v6  }
0x57: {  	v21 =	vld.idx.msk [tilespmem:v21+s2+$0x0], $0xffff;
	v3 =	vadd.f32 v23, v3;
	v2 =	vadd.f32 v8, v2  }
0x58: {  	v20 =	vadd.s32 s30, v53;
	v5 =	vadd.f32 v24, v5;
	v1 =	vadd.f32 v14, v1  }
0x59: {  	v25 =	vadd.s32 s30, v49;
	v22 =	vld.idx.msk [tilespmem:v22+s2+$0x0], $0xffff;
	v4 =	vadd.f32 v13, v4;
	v0 =	vadd.f32 v0, v6  }
0x5a: {  	v17 =	vadd.s32 s30, v52;
	v3 =	vadd.f32 v15, v3;
	v1 =	vadd.f32 v40, v1  }
0x5b: {  	v16 =	vadd.s32 s30, v48;
	v4 =	vadd.f32 v38, v4;
	v8 =	vld.idx.msk [tilespmem:v18+s2+$0x0], $0xffff;
	v0 =	vadd.f32 v39, v0  }
0x5c: {  	v3 =	vadd.f32 v37, v3;
	v18 =	vunpack.i.l.bf16.f32 v21;
	v1 =	vadd.f32 v36, v1  }
0x5d: {  	v4 =	vadd.f32 v33, v4;
	v9 =	vadd.f32 $0.0e+00, v18;
	v18 =	vld.idx.msk [tilespmem:v20+s2+$0x0], $0xffff;
	v20 =	vunpack.i.u.bf16.f32 v21  }
0x5e: {  	v24 =	vld.idx.msk [tilespmem:v48+s2+$0x0], $0xffff;
	v21 =	vunpack.i.l.bf16.f32 v22;
	v0 =	vadd.f32 v35, v0;
	v20 =	vadd.f32 $0.0e+00, v20  }
0x5f: {  	v22 =	vunpack.i.u.bf16.f32 v22;
	v3 =	vadd.f32 v34, v3;
	v9 =	vadd.f32 v21, v9  }
0x60: {  	v17 =	vld.idx.msk [tilespmem:v17+s2+$0x0], $0xffff;
	v1 =	vadd.f32 v31, v1;
	v20 =	vadd.f32 v22, v20;
	v22 =	vunpack.i.l.bf16.f32 v8  }
0x61: {  	v4 =	vadd.f32 v30, v4;
	v8 =	vunpack.i.u.bf16.f32 v8;
	v9 =	vadd.f32 v22, v9  }
0x62: {  	v22 =	vadd.s32 s30, v43;
	v8 =	vadd.f32 v8, v20;
	v20 =	vunpack.i.l.bf16.f32 v18  }
0x63: {  	v25 =	vld.idx.msk [tilespmem:v25+s2+$0x0], $0xffff;
	v51 =	vadd.f32 v29, v1;
	v9 =	vadd.f32 v20, v9;
	v20 =	vunpack.i.l.bf16.f32 v24  }
0x64: {  	v18 =	vunpack.i.u.bf16.f32 v18;
	v2 =	vadd.f32 v20, v2;
	v20 =	vadd.s32 s30, v47  }
0x65: {  	v16 =	vld.idx.msk [tilespmem:v16+s2+$0x0], $0xffff;
	v24 =	vunpack.i.u.bf16.f32 v24;
	v8 =	vadd.f32 v18, v8;
	v18 =	vunpack.i.l.bf16.f32 v17  }
0x66: {  	v17 =	vunpack.i.u.bf16.f32 v17;
	v9 =	vadd.f32 v18, v9;
	v18 =	vadd.s32 s30, v46  }
0x67: {  	v5 =	vadd.f32 v24, v5;
	v22 =	vld.idx.msk [tilespmem:v22+s2+$0x0], $0xffff;
	v8 =	vadd.f32 v17, v8  }
0x68: {  	v19 =	vld.idx.msk [tilespmem:v43+s2+$0x0], $0xffff;
	v24 =	vadd.s32 s30, v12;
	v17 =	vunpack.i.l.bf16.f32 v25;
	v25 =	vunpack.i.u.bf16.f32 v25  }
0x69: {  	v9 =	vadd.f32 v17, v9;
	v8 =	vadd.f32 v25, v8;
	v20 =	vld.idx.msk [tilespmem:v20+s2+$0x0], $0xffff  }
0x6a: {  	v14 =	vunpack.i.l.bf16.f32 v16;
	v16 =	vunpack.i.u.bf16.f32 v16;
	v17 =	vadd.s32 s30, v11  }
0x6b: {  	v32 =	vadd.s32 s29, v11;
	v9 =	vadd.f32 v14, v9;
	v18 =	vld.idx.msk [tilespmem:v18+s2+$0x0], $0xffff;
	v8 =	vadd.f32 v16, v8  }
0x6c: {  	v7 =	vld.idx.msk [tilespmem:v47+s2+$0x0], $0xffff;
	v14 =	vadd.s32 s30, v10;
	v13 =	vunpack.i.l.bf16.f32 v22;
	v6 =	vunpack.i.u.bf16.f32 v22  }
0x6d: {  	v23 =	vunpack.i.u.bf16.f32 v19;
	v16 =	vld.idx.msk [tilespmem:v24+s2+$0x0], $0xffff;
	v9 =	vadd.f32 v13, v9;
	v6 =	vadd.f32 v6, v8  }
0x6e: {  	v45 =	vadd.f32 v44, v4;
	v8 =	vunpack.i.l.bf16.f32 v20;
	v15 =	vunpack.i.u.bf16.f32 v20  }
0x6f: {  	v19 =	vunpack.i.l.bf16.f32 v19;
	v13 =	vld.idx.msk [tilespmem:v17+s2+$0x0], $0xffff;
	v8 =	vadd.f32 v8, v9;
	v6 =	vadd.f32 v15, v6  }
0x70: {  	v2 =	vadd.f32 v19, v2;
	v9 =	vunpack.i.l.bf16.f32 v18;
	v15 =	vunpack.i.u.bf16.f32 v18  }
0x71: {  	v21 =	vunpack.i.u.bf16.f32 v7;
	v14 =	vld.idx.msk [tilespmem:v14+s2+$0x0], $0xffff;
	v8 =	vadd.f32 v9, v8;
	v6 =	vadd.f32 v15, v6  }
0x72: {  	v5 =	vadd.f32 v23, v5;
	v9 =	vunpack.i.l.bf16.f32 v16;
	v15 =	vld.idx.msk [tilespmem:v46+s2+$0x0], $0xffff;
	v16 =	vunpack.i.u.bf16.f32 v16  }
0x73: {  	v7 =	vunpack.i.l.bf16.f32 v7;
	v8 =	vadd.f32 v9, v8;
	v6 =	vadd.f32 v16, v6;
	v16 =	vld.idx.msk [tilespmem:v32+s2+$0x0], $0xffff  }
0x74: {  	v2 =	vadd.f32 v7, v2;
	v7 =	vunpack.i.u.bf16.f32 v13;
	v9 =	vunpack.i.l.bf16.f32 v13  }
0x75: {  	v8 =	vadd.f32 v9, v8;
	v6 =	vadd.f32 v7, v6;
	v9 =	vld.idx.msk [tilespmem:v12+s2+$0x0], $0xffff  }
0x76: {  	v5 =	vadd.f32 v21, v5;
	v13 =	vunpack.i.u.bf16.f32 v14;
	v7 =	vunpack.i.l.bf16.f32 v14  }
0x77: {  	v50 =	vadd.f32 v7, v8;
	v41 =	vadd.f32 v13, v6;
	v6 =	vld.idx.msk [tilespmem:v11+s2+$0x0], $0xffff;
	v8 =	vunpack.i.l.bf16.f32 v15  }
0x78: {  	v7 =	vunpack.i.u.bf16.f32 v15;
	v2 =	vadd.f32 v8, v2;
	v13 =	vunpack.i.l.bf16.f32 v16  }
0x79: {  	v5 =	vadd.f32 v7, v5;
	v7 =	vunpack.i.u.bf16.f32 v16;
	v0 =	vadd.f32 v13, v0  }
0x7a: {  	v3 =	vadd.f32 v7, v3;
	v14 =	vunpack.i.l.bf16.f32 v9;
	v7 =	vunpack.i.u.bf16.f32 v9  }
0x7b: {  	s31 =	simm.s32 $0x5;
	v8 =	vld.idx.msk [tilespmem:v10+s2+$0x0], $0xffff;
	v2 =	vadd.f32 v14, v2;
	v1 =	vadd.f32 v7, v5  }
0x7c: {  	v37 =	vadd.f32 v26, v3;
	v3 =	vadd.s32 s31, v10;
	v4 =	vunpack.i.u.bf16.f32 v6  }
0x7d: {  	[tilespmem:$0x1FE10] =	vst v10;
	v44 =	vadd.f32 v28, v0;
	v0 =	vadd.f32 v4, v1;
	v4 =	vadd.s32 s31, v27  }
0x7e: {  	[tilespmem:$0x1FE20] =	vst v12;
	v5 =	vunpack.i.l.bf16.f32 v6  }
0x7f: {  	[tilespmem:$0x1FE30] =	vst v46;
	v2 =	vadd.f32 v5, v2  }
0x80: {  	[tilespmem:$0x1FE40] =	vst v54;
	v1 =	vunpack.i.l.bf16.f32 v8  }
0x81: {  	v38 =	vadd.f32 v1, v2;
	v2 =	vadd.s32 s31, v54;
	v3 =	vld.idx.msk [tilespmem:v3+s2+$0x0], $0xffff  }
0x82: {  	v56 =	vadd.s32 $0x4, v27;
	s23 =	simm.s32 $0x6;
	v5 =	vunpack.i.u.bf16.f32 v8;
	v4 =	vld.idx.msk [tilespmem:v4+s2+$0x0], $0xffff;
	[tilespmem:$0x1FE50] =	vst v47  }
0x83: {  	v1 =	vadd.s32 s23, v10;
	v10 =	vadd.f32 v5, v0;
	v5 =	vadd.s32 s23, v27;
	[tilespmem:$0x1FE60] =	vst v56  }
0x84: {  	[tilespmem:$0x1FE70] =	vst v43  }
0x85: {  	[tilespmem:$0x1FE80] =	vst v57  }
0x86: {  	v14 =	vadd.s32 s23, v54;
	v2 =	vld.idx.msk [tilespmem:v2+s2+$0x0], $0xffff;
	[tilespmem:$0x1FE90] =	vst v48  }
0x87: {  	s20 =	simm.s32 $0x0;
	v30 =	vadd.s32 s23, v53;
	v19 =	vadd.s32 s23, v43;
	v17 =	vadd.s32 s31, v55;
	[tilespmem:$0x1FEA0] =	vst v55  }
0x88: {  	v23 =	vadd.s32 s23, v48;
	v21 =	vadd.s32 s31, v48;
	v18 =	vadd.s32 s20, v56;
	v5 =	vld.idx.msk [tilespmem:v5+s2+$0x0], $0xffff  }
0x89: {  	v24 =	vadd.s32 s31, v53;
	v22 =	vadd.s32 s23, v55;
	v20 =	vadd.s32 s20, v57;
	v1 =	vld.idx.msk [tilespmem:v1+s2+$0x0], $0xffff;
	[tilespmem:$0x1FEB0] =	vst v49  }
0x8a: {  	v15 =	vadd.s32 s23, v47;
	v16 =	vadd.s32 s31, v43;
	v13 =	vadd.s32 s31, v47;
	[tilespmem:$0x1FEC0] =	vst v52  }
0x8b: {  	v9 =	vadd.s32 s23, v46;
	v7 =	vadd.s32 s23, v12;
	v0 =	vadd.s32 s31, v11;
	v14 =	vld.idx.msk [tilespmem:v14+s2+$0x0], $0xffff;
	[tilespmem:$0x1FED0] =	vst v53  }
0x8c: {  	v6 =	vadd.s32 s31, v12;
	v8 =	vadd.s32 s31, v46;
	v25 =	vunpack.i.l.bf16.f32 v4;
	v17 =	vld.idx.msk [tilespmem:v17+s2+$0x0], $0xffff  }
0x8d: {  	v31 =	vunpack.i.u.bf16.f32 v3;
	v18 =	vld.idx.msk [tilespmem:v18+s2+$0x0], $0xffff;
	v4 =	vunpack.i.u.bf16.f32 v4;
	v25 =	vadd.f32 $0.0e+00, v25  }
0x8e: {  	v33 =	vunpack.i.l.bf16.f32 v3;
	v22 =	vld.idx.msk [tilespmem:v22+s2+$0x0], $0xffff;
	v4 =	vadd.f32 $0.0e+00, v4;
	v3 =	vunpack.i.l.bf16.f32 v2  }
0x8f: {  	v43 =	vld.idx.msk [tilespmem:v20+s2+$0x0], $0xffff;
	v2 =	vunpack.i.u.bf16.f32 v2;
	v3 =	vadd.f32 v3, v25;
	v25 =	vunpack.i.l.bf16.f32 v5  }
0x90: {  	v0 =	vld.idx.msk [tilespmem:v0+s2+$0x0], $0xffff;
	v5 =	vunpack.i.u.bf16.f32 v5;
	v2 =	vadd.f32 v2, v4;
	v32 =	vunpack.i.u.bf16.f32 v1  }
0x91: {  	v6 =	vld.idx.msk [tilespmem:v6+s2+$0x0], $0xffff;
	v35 =	vunpack.i.l.bf16.f32 v1;
	v25 =	vadd.f32 $0.0e+00, v25;
	v5 =	vadd.f32 $0.0e+00, v5  }
0x92: {  	v7 =	vld.idx.msk [tilespmem:v7+s2+$0x0], $0xffff;
	v4 =	vunpack.i.l.bf16.f32 v14;
	v14 =	vunpack.i.u.bf16.f32 v14;
	v20 =	vunpack.i.u.bf16.f32 v17  }
0x93: {  	v8 =	vld.idx.msk [tilespmem:v8+s2+$0x0], $0xffff;
	v17 =	vunpack.i.l.bf16.f32 v17;
	v1 =	vunpack.i.u.bf16.f32 v22;
	v4 =	vadd.f32 v4, v25  }
0x94: {  	v54 =	vld.idx.msk [tilespmem:v30+s2+$0x0], $0xffff;
	v5 =	vadd.f32 v14, v5;
	v14 =	vunpack.i.l.bf16.f32 v18;
	v3 =	vadd.f32 v17, v3  }
0x95: {  	v17 =	vunpack.i.l.bf16.f32 v22;
	v25 =	vld.idx.msk [tilespmem:v24+s2+$0x0], $0xffff;
	v2 =	vadd.f32 v20, v2;
	v14 =	vadd.f32 $0.0e+00, v14  }
0x96: {  	v9 =	vld.idx.msk [tilespmem:v9+s2+$0x0], $0xffff;
	v20 =	vunpack.i.l.bf16.f32 v43;
	v22 =	vadd.f32 v1, v5;
	v1 =	vunpack.i.u.bf16.f32 v6  }
0x97: {  	v13 =	vld.idx.msk [tilespmem:v13+s2+$0x0], $0xffff;
	v6 =	vunpack.i.l.bf16.f32 v6;
	v20 =	vadd.f32 v20, v14;
	v14 =	vunpack.i.u.bf16.f32 v18;
	[tilespmem:$0x1FEE0] =	vst v1  }
0x98: {  	v36 =	vunpack.i.u.bf16.f32 v0;
	v0 =	vunpack.i.l.bf16.f32 v0;
	v1 =	vadd.f32 $0.0e+00, v14;
	v5 =	vld.idx.msk [tilespmem:v15+s2+$0x0], $0xffff;
	[tilespmem:$0x1FEF0] =	vst v6  }
0x99: {  	v26 =	vadd.s32 s31, v49;
	v46 =	vadd.s32 s23, v49;
	[tilespmem:$0x1FF00] =	vst v0;
	v0 =	vunpack.i.u.bf16.f32 v43  }
0x9a: {  	v47 =	vadd.s32 s31, v52;
	v6 =	vld.idx.msk [tilespmem:v16+s2+$0x0], $0xffff;
	v24 =	vadd.f32 v0, v1;
	v0 =	vunpack.i.u.bf16.f32 v25  }
0x9b: {  	v14 =	vld.idx.msk [tilespmem:v19+s2+$0x0], $0xffff;
	v1 =	vunpack.i.l.bf16.f32 v25;
	v25 =	vadd.f32 v0, v2;
	v2 =	vunpack.i.u.bf16.f32 v7  }
0x9c: {  	v57 =	vadd.s32 s23, v52;
	v40 =	vunpack.i.l.bf16.f32 v7;
	v4 =	vadd.f32 v17, v4;
	v0 =	vld.idx.msk [tilespmem:v21+s2+$0x0], $0xffff;
	[tilespmem:$0x1FF10] =	vst v2  }
0x9d: {  	v18 =	vadd.f32 v1, v3;
	v1 =	vunpack.i.l.bf16.f32 v54;
	v7 =	vunpack.i.l.bf16.f32 v9;
	v2 =	vld.idx.msk [tilespmem:v23+s2+$0x0], $0xffff;
	[tilespmem:$0x1FF20] =	vst v58  }
0x9e: {  	v1 =	vadd.f32 v1, v4;
	v4 =	vld.idx.msk [tilespmem:v26+s2+$0x0], $0xffff;
	[tilespmem:$0x1FF30] =	vst v7  }
0x9f: {  	s25 =	simm.s32 $0x4100;
	s26 =	simm.s32 $0x180;
	s0 =	simm.s32 $0x80;
	v3 =	vadd.s32 s20, v58;
	[tilespmem:$0x1FF40] =	vst v63  }
0xa0: {  	s9 =	simm.s32 $0x100;
	s13 =	simm.s32 $0x2100;
	s26 =	sand.u32 $0x380, s26;
	v34 =	vunpack.i.l.bf16.f32 v8;
	v43 =	vunpack.i.u.bf16.f32 v8;
	v26 =	vmov s22;
	v8 =	vld.idx.msk [tilespmem:v46+s2+$0x0], $0xffff;
	[tilespmem:$0x1FF50] =	vst v61  }
0xa1: {  	s21 =	sor.u32 $0x5880, s19;
	s24 =	sand.u32 $0x3800, s20;
	s28 =	simm.s32 $0x4300;
	v16 =	vld.idx.msk [tilespmem:v47+s2+$0x0], $0xffff;
	[tilespmem:$0x1FF60] =	vst v60  }
0xa2: {  	s24 =	sor.u32 s19, s24;
	s28 =	sand.u32 $0x7800, s28;
	s29 =	simm.s32 $0x2180;
	v53 =	vunpack.i.u.bf16.f32 v6;
	v47 =	vld.idx.msk [tilespmem:v57+s2+$0x0], $0xffff;
	v57 =	vunpack.i.l.bf16.f32 v6;
	v6 =	vadd.s32 s20, v59  }
0xa3: {  	s28 =	sadd.s32 s28, s21;
	s29 =	sand.u32 $0x380, s29;
	s22 =	sadd.s32 $0x5880, s24;
	[tilespmem:$0x1FF70] =	vst v59  }
0xa4: {  	s28 =	sadd.s32 s29, s28;
	s29 =	sand.u32 $0x280, s0;
	s26 =	sadd.s32 s26, s22;
	v3 =	vld.idx.msk [tilespmem:v3+s2+$0x0], $0xffff;
	[tilespmem:$0x1FF80] =	vst v62  }
0xa5: {  	s25 =	sand.u32 $0x7800, s25;
	s31 =	simm.s32 $0x2080;
	s29 =	sadd.s32 s29, s22;
	[tilespmem:v26+s26+$0x0 ss:$0x1] =	vst.idx.msk $0xffff, v50  }
0xa6: {  	s25 =	sadd.s32 s25, s21;
	s30 =	simm.s32 $0x4200;
	s11 =	sand.u32 $0x280, s31;
	v48 =	vunpack.i.l.bf16.f32 v13;
	[tilespmem:v26+s29+$0x0 ss:$0x1] =	vst.idx.msk $0xffff, v51  }
0xa7: {  	s1 =	sand.u32 $0x7800, s30;
	s25 =	sadd.s32 s11, s25;
	v46 =	vunpack.i.u.bf16.f32 v13;
	v13 =	vunpack.i.u.bf16.f32 v4;
	v15 =	vunpack.i.l.bf16.f32 v4;
	[tilespmem:v26+s28+$0x0 ss:$0x1] =	vst.idx.msk $0xffff, v41;
	s28 =	sand.u32 $0x300, s9;
	v4 =	vld.idx.msk [tilespmem:v6+s2+$0x0], $0xffff  }
0xa8: {  	s26 =	sadd.s32 s1, s21;
	s29 =	sand.u32 $0x300, s13;
	s28 =	sadd.s32 s28, s22;
	v6 =	vld [tilespmem:$0x1FF90];
	[tilespmem:v26+s25+$0x0 ss:$0x1] =	vst.idx.msk $0xffff, v45  }
0xa9: {  	[tilespmem:v26+s28+$0x0 ss:$0x1] =	vst.idx.msk $0xffff, v44;
	s25 =	sadd.s32 s29, s26  }
0xaa: {  	[tilespmem:v26+s25+$0x0 ss:$0x1] =	vst.idx.msk $0xffff, v37  }
0xab: {  	v50 =	vunpack.i.u.bf16.f32 v3;
	v51 =	vunpack.i.l.bf16.f32 v3;
	v3 =	vld [tilespmem:$0x1FFA0];
	_ =	sdelay $0x3  }
0xac: {  	v17 =	vadd.s32 s20, v60;
	v58 =	vunpack.i.u.bf16.f32 v0;
	v60 =	vunpack.i.l.bf16.f32 v0  }
0xad: {  	v23 =	vunpack.i.u.bf16.f32 v47;
	v0 =	vunpack.i.l.bf16.f32 v47;
	v47 =	vadd.s32 s20, v3;
	v3 =	vld [tilespmem:$0x1FFB0]  }
0xae: {  	v7 =	vadd.s32 s20, v63  }
0xaf: {  	v42 =	vunpack.i.u.bf16.f32 v9;
	v9 =	vadd.s32 s20, v61  }
0xb0: {  	v39 =	vunpack.i.u.bf16.f32 v5;
	v49 =	vunpack.i.l.bf16.f32 v5;
	v5 =	vadd.s32 s20, v62;
	_ =	sdelay $0x1  }
0xb1: {  	v41 =	vadd.s32 s20, v3;
	v3 =	vld [tilespmem:$0x1FFC0]  }
0xb2: {  	v7 =	vld.idx.msk [tilespmem:v7+s2+$0x0], $0xffff  }
0xb3: {  	s30 =	sand.u32 $0x200, s20;
	v9 =	vld.idx.msk [tilespmem:v9+s2+$0x0], $0xffff  }
0xb4: {  	v5 =	vld.idx.msk [tilespmem:v5+s2+$0x0], $0xffff;
	s22 =	sadd.s32 s30, s22  }
0xb5: {  	v52 =	vunpack.i.u.bf16.f32 v14;
	v19 =	vunpack.i.u.bf16.f32 v16;
	v21 =	vunpack.i.l.bf16.f32 v16;
	v16 =	vld.idx.msk [tilespmem:v17+s2+$0x0], $0xffff;
	[tilespmem:v26+s22+$0x0 ss:$0x1] =	vst.idx.msk $0xffff, v38  }
0xb6: {  	v56 =	vunpack.i.l.bf16.f32 v14;
	v6 =	vadd.s32 s20, v6;
	v37 =	vadd.s32 s20, v3;
	v3 =	vld [tilespmem:$0x1FFD0]  }
0xb7: {  	v59 =	vunpack.i.u.bf16.f32 v2;
	v61 =	vunpack.i.l.bf16.f32 v2;
	v2 =	vunpack.i.u.bf16.f32 v54  }
0xb8: {  	v14 =	vunpack.i.u.bf16.f32 v8;
	v17 =	vunpack.i.l.bf16.f32 v8;
	v45 =	vadd.s32 s23, v11  }
0xb9: {  	s31 =	sadd.s32 s30, s24;
	s25 =	simm.s32 $0x7;
	v54 =	vunpack.i.u.bf16.f32 v7;
	v55 =	vunpack.i.l.bf16.f32 v7;
	v62 =	vunpack.i.u.bf16.f32 v9;
	[tilespmem:$0x1FFE0] =	vst v11  }
0xba: {  	v63 =	vunpack.i.l.bf16.f32 v9;
	v9 =	vunpack.i.l.bf16.f32 v5;
	v8 =	vadd.s32 s25, v27;
	[tilespmem:v26+s31+$0x9880 ss:$0x1] =	vst.idx.msk $0xffff, v10  }
0xbb: {  	s24 =	simm.s32 $0x8;
	s23 =	simm.s32 $0x4;
	v7 =	vunpack.i.u.bf16.f32 v4;
	s22 =	simm.s32 $0x0;
	v6 =	vld.idx.msk [tilespmem:v6+s2+$0x0], $0xffff;
	[tilespmem:$0x1FFF0] =	vst v27;
	v38 =	vadd.s32 s20, v3;
	v3 =	vunpack.i.u.bf16.f32 v16  }
.LBB2_3:
0xbc: {  	v29 =	vld [tilespmem:$0x1FE40];
	_ =	sdelay $0x1  }
0xbd: {  	v30 =	vld [tilespmem:$0x1FEA0]  }
0xbe: {  	v5 =	vunpack.i.u.bf16.f32 v5;
	v28 =	vld [tilespmem:$0x1FED0];
	v9 =	vadd.f32 v9, v20  }
0xbf: {  	v4 =	vunpack.i.l.bf16.f32 v4;
	v2 =	vadd.f32 v2, v22;
	v5 =	vadd.f32 v5, v24  }
0xc0: {  	v18 =	vadd.f32 v21, v18;
	v19 =	vadd.f32 v19, v25;
	v20 =	vadd.s32 s25, v29  }
0xc1: {  	v27 =	vld [tilespmem:$0x1FEC0];
	v0 =	vadd.f32 v0, v1;
	v1 =	vadd.f32 v4, v9  }
0xc2: {  	v8 =	vld.idx.msk [tilespmem:v8+s2+$0x0], $0xffff;
	v2 =	vadd.f32 v23, v2;
	v5 =	vadd.f32 v7, v5;
	v4 =	vadd.s32 s25, v30  }
0xc3: {  	v9 =	vadd.f32 v15, v18;
	v23 =	vld [tilespmem:$0x1FEB0];
	v7 =	vunpack.i.l.bf16.f32 v6;
	v15 =	vadd.s32 s25, v28  }
0xc4: {  	v21 =	vld [tilespmem:$0x1FE90];
	v13 =	vadd.f32 v13, v19;
	v6 =	vunpack.i.u.bf16.f32 v6;
	v1 =	vadd.f32 v7, v1  }
0xc5: {  	v2 =	vadd.f32 v14, v2;
	v5 =	vadd.f32 v6, v5;
	v7 =	vld.idx.msk [tilespmem:v20+s2+$0x0], $0xffff  }
0xc6: {  	v18 =	vld [tilespmem:$0x1FE70];
	v6 =	vadd.f32 v60, v9;
	v9 =	vadd.s32 s25, v27;
	v14 =	vunpack.i.l.bf16.f32 v16  }
0xc7: {  	v1 =	vadd.f32 v14, v1;
	v3 =	vadd.f32 v3, v5;
	v4 =	vld.idx.msk [tilespmem:v4+s2+$0x0], $0xffff  }
0xc8: {  	v5 =	vadd.f32 v57, v6;
	v6 =	vunpack.i.l.bf16.f32 v8;
	v14 =	vadd.s32 s25, v23;
	v15 =	vld.idx.msk [tilespmem:v15+s2+$0x0], $0xffff  }
0xc9: {  	v0 =	vadd.f32 v17, v0;
	v8 =	vunpack.i.u.bf16.f32 v8;
	v6 =	vadd.f32 $0.0e+00, v6;
	v20 =	vld [tilespmem:$0x1FE50]  }
0xca: {  	v19 =	vld [tilespmem:$0x1FE30];
	v16 =	vadd.s32 s25, v21;
	v8 =	vadd.f32 $0.0e+00, v8;
	v17 =	vunpack.i.l.bf16.f32 v7  }
0xcb: {  	v9 =	vld.idx.msk [tilespmem:v9+s2+$0x0], $0xffff;
	v7 =	vunpack.i.u.bf16.f32 v7;
	v6 =	vadd.f32 v17, v6  }
0xcc: {  	v12 =	vld [tilespmem:$0x1FE20];
	v17 =	vadd.s32 s25, v18;
	v7 =	vadd.f32 v7, v8;
	v8 =	vunpack.i.l.bf16.f32 v4  }
0xcd: {  	v14 =	vld.idx.msk [tilespmem:v14+s2+$0x0], $0xffff;
	v4 =	vunpack.i.u.bf16.f32 v4;
	v6 =	vadd.f32 v8, v6  }
0xce: {  	v11 =	vld [tilespmem:$0x1FFE0];
	v8 =	vadd.s32 s25, v20;
	v4 =	vadd.f32 v4, v7;
	v7 =	vunpack.i.l.bf16.f32 v15  }
0xcf: {  	v16 =	vld.idx.msk [tilespmem:v16+s2+$0x0], $0xffff;
	v15 =	vunpack.i.u.bf16.f32 v15;
	v6 =	vadd.f32 v7, v6  }
0xd0: {  	v10 =	vld [tilespmem:$0x1FE10];
	v7 =	vadd.s32 s25, v19;
	v4 =	vadd.f32 v15, v4;
	v15 =	vunpack.i.l.bf16.f32 v9  }
0xd1: {  	v9 =	vunpack.i.u.bf16.f32 v9;
	v17 =	vld.idx.msk [tilespmem:v17+s2+$0x0], $0xffff;
	v6 =	vadd.f32 v15, v6  }
0xd2: {  	v15 =	vadd.s32 s25, v12;
	v4 =	vadd.f32 v9, v4;
	v9 =	vunpack.i.l.bf16.f32 v14  }
0xd3: {  	v14 =	vunpack.i.u.bf16.f32 v14;
	v8 =	vld.idx.msk [tilespmem:v8+s2+$0x0], $0xffff;
	v6 =	vadd.f32 v9, v6  }
0xd4: {  	v9 =	vadd.s32 s25, v11;
	v4 =	vadd.f32 v14, v4;
	v14 =	vunpack.i.l.bf16.f32 v16  }
0xd5: {  	v16 =	vunpack.i.u.bf16.f32 v16;
	v7 =	vld.idx.msk [tilespmem:v7+s2+$0x0], $0xffff;
	v6 =	vadd.f32 v14, v6  }
0xd6: {  	v14 =	vadd.s32 s25, v10;
	v4 =	vadd.f32 v16, v4;
	v16 =	vunpack.i.l.bf16.f32 v17  }
0xd7: {  	v17 =	vunpack.i.u.bf16.f32 v17;
	v15 =	vld.idx.msk [tilespmem:v15+s2+$0x0], $0xffff;
	v6 =	vadd.f32 v16, v6  }
0xd8: {  	v4 =	vadd.f32 v17, v4;
	v16 =	vunpack.i.l.bf16.f32 v8  }
0xd9: {  	v13 =	vadd.f32 v58, v13;
	v8 =	vunpack.i.u.bf16.f32 v8;
	v9 =	vld.idx.msk [tilespmem:v9+s2+$0x0], $0xffff;
	v6 =	vadd.f32 v16, v6  }
0xda: {  	v0 =	vadd.f32 v61, v0;
	v4 =	vadd.f32 v8, v4;
	v8 =	vunpack.i.l.bf16.f32 v7  }
0xdb: {  	v2 =	vadd.f32 v59, v2;
	v7 =	vunpack.i.u.bf16.f32 v7;
	v14 =	vld.idx.msk [tilespmem:v14+s2+$0x0], $0xffff;
	v6 =	vadd.f32 v8, v6  }
0xdc: {  	v13 =	vadd.f32 v53, v13;
	v4 =	vadd.f32 v7, v4;
	v7 =	vunpack.i.l.bf16.f32 v15  }
0xdd: {  	v0 =	vadd.f32 v56, v0;
	v15 =	vunpack.i.u.bf16.f32 v15;
	v6 =	vadd.f32 v7, v6  }
0xde: {  	s20 =	sadd.s32 $0x200, s20;
	s22 =	sadd.s32 $0x400, s22;
	v2 =	vadd.f32 v52, v2;
	v4 =	vadd.f32 v15, v4;
	v15 =	vunpack.i.l.bf16.f32 v9  }
0xdf: {  	s0 =	sand.u32 $0x3800, s22;
	s29 =	sadd.s32 $0x180, s20;
	v1 =	vadd.f32 v63, v1;
	v16 =	vld [tilespmem:$0x1FF30];
	v9 =	vunpack.i.u.bf16.f32 v9;
	v6 =	vadd.f32 v15, v6  }
0xe0: {  	s30 =	sadd.s32 $0x4300, s22;
	s31 =	sadd.s32 $0x2180, s20;
	v3 =	vadd.f32 v62, v3;
	s25 =	sor.u32 s19, s0;
	v4 =	vadd.f32 v9, v4;
	v9 =	vunpack.i.l.bf16.f32 v14  }
0xe1: {  	s29 =	sand.u32 $0x380, s29;
	s30 =	sand.u32 $0x7800, s30;
	v5 =	vadd.f32 v48, v5;
	s26 =	sadd.s32 $0x5880, s25;
	v17 =	vld [tilespmem:$0x1FEF0];
	v14 =	vunpack.i.u.bf16.f32 v14;
	v6 =	vadd.f32 v9, v6  }
0xe2: {  	s31 =	sand.u32 $0x380, s31;
	s30 =	sadd.s32 s30, s21;
	v0 =	vadd.f32 v49, v0;
	s29 =	sadd.s32 s29, s26;
	v7 =	vld.idx.msk [tilespmem:v45+s2+$0x0], $0xffff;
	v4 =	vadd.f32 v14, v4  }
0xe3: {  	v22 =	vld [tilespmem:$0x1FEE0];
	s1 =	sadd.s32 s31, s30;
	v13 =	vadd.f32 v46, v13;
	v2 =	vadd.f32 v39, v2;
	[tilespmem:v26+s29+$0x0 ss:$0x1] =	vst.idx.msk $0xffff, v6  }
0xe4: {  	v1 =	vadd.f32 v55, v1;
	v0 =	vadd.f32 v16, v0;
	[tilespmem:v26+s1+$0x0 ss:$0x1] =	vst.idx.msk $0xffff, v4;
	v4 =	vld [tilespmem:$0x1FF00]  }
0xe5: {  	v3 =	vadd.f32 v54, v3;
	v5 =	vadd.f32 v34, v5  }
0xe6: {  	v13 =	vadd.f32 v43, v13;
	v0 =	vadd.f32 v40, v0  }
0xe7: {  	v8 =	vld.idx.msk [tilespmem:v47+s2+$0x0], $0xffff;
	v5 =	vadd.f32 v17, v5;
	v6 =	vunpack.i.u.bf16.f32 v7;
	v7 =	vunpack.i.l.bf16.f32 v7  }
0xe8: {  	v13 =	vadd.f32 v22, v13;
	v0 =	vadd.f32 v7, v0  }
0xe9: {  	s28 =	sadd.s32 $0x4100, s22;
	s13 =	sadd.s32 $0x100, s20;
	v2 =	vadd.f32 v42, v2;
	v14 =	vld [tilespmem:$0x1FF10];
	v4 =	vadd.f32 v4, v5  }
0xea: {  	s9 =	sadd.s32 $0x80, s20;
	s11 =	sadd.s32 $0x2080, s20;
	v15 =	vld.idx.msk [tilespmem:v41+s2+$0x0], $0xffff;
	s29 =	sand.u32 $0x300, s13;
	v0 =	vadd.f32 v35, v0;
	v5 =	vadd.f32 v36, v13  }
0xeb: {  	s28 =	sand.u32 $0x7800, s28;
	s30 =	sand.u32 $0x280, s9;
	v1 =	vadd.f32 v51, v1;
	s29 =	sadd.s32 s29, s26;
	v4 =	vadd.f32 v33, v4  }
0xec: {  	s28 =	sadd.s32 s28, s21;
	s31 =	sand.u32 $0x280, s11;
	s30 =	sadd.s32 s30, s26;
	v17 =	vld.idx.msk [tilespmem:v37+s2+$0x0], $0xffff;
	v9 =	vunpack.i.u.bf16.f32 v8;
	v8 =	vunpack.i.l.bf16.f32 v8;
	[tilespmem:v26+s29+$0x0 ss:$0x1] =	vst.idx.msk $0xffff, v0;
	v5 =	vadd.f32 v31, v5  }
0xed: {  	s28 =	sadd.s32 s31, s28;
	s31 =	sadd.s32 $0x2, s24;
	v3 =	vadd.f32 v50, v3;
	v16 =	vld.idx.msk [tilespmem:v38+s2+$0x0], $0xffff;
	v1 =	vadd.f32 v8, v1;
	[tilespmem:v26+s30+$0x0 ss:$0x1] =	vst.idx.msk $0xffff, v4;
	s30 =	sadd.s32 $0x1, s24  }
0xee: {  	v2 =	vadd.f32 v14, v2;
	v0 =	vadd.s32 s31, v10;
	[tilespmem:v26+s28+$0x0 ss:$0x1] =	vst.idx.msk $0xffff, v5;
	v5 =	vadd.s32 s30, v10;
	v10 =	vld [tilespmem:$0x1FE60]  }
0xef: {  	v3 =	vadd.f32 v9, v3;
	v8 =	vunpack.i.l.bf16.f32 v15  }
0xf0: {  	v1 =	vadd.f32 v8, v1;
	v2 =	vadd.f32 v6, v2;
	v6 =	vunpack.i.u.bf16.f32 v15  }
0xf1: {  	v3 =	vadd.f32 v6, v3;
	v6 =	vunpack.i.l.bf16.f32 v17  }
0xf2: {  	v1 =	vadd.f32 v6, v1  }
0xf3: {  	v6 =	vunpack.i.u.bf16.f32 v16;
	v4 =	vunpack.i.l.bf16.f32 v16;
	v16 =	vadd.s32 s23, v10;
	v10 =	vld [tilespmem:$0x1FE80];
	_ =	sdelay $0x4  }
0xf4: {  	v22 =	vadd.s32 s23, v10;
	v10 =	vld [tilespmem:$0x1FF80];
	_ =	sdelay $0x1  }
0xf5: {  	s0 =	sadd.s32 $0x4200, s22  }
0xf6: {  	s0 =	sand.u32 $0x7800, s0;
	s1 =	sadd.s32 $0x2100, s20;
	v8 =	vadd.s32 s31, v20  }
0xf7: {  	s0 =	sadd.s32 s0, s21;
	v7 =	vunpack.i.u.bf16.f32 v17;
	s1 =	sand.u32 $0x300, s1;
	v15 =	vadd.s32 s31, v21;
	v2 =	vadd.f32 v32, v2  }
0xf8: {  	s0 =	sadd.s32 s1, s0;
	v3 =	vadd.f32 v7, v3;
	v7 =	vadd.s32 s30, v20;
	v20 =	vadd.s32 s23, v10;
	v10 =	vld [tilespmem:$0x1FF70]  }
0xf9: {  	v13 =	vadd.s32 s31, v18;
	v31 =	vld [tilespmem:$0x1FFF0];
	[tilespmem:v26+s0+$0x0 ss:$0x1] =	vst.idx.msk $0xffff, v2  }
0xfa: {  	v3 =	vadd.f32 v6, v3;
	v6 =	vadd.s32 s31, v19;
	v0 =	vld.idx.msk [tilespmem:v0+s2+$0x0], $0xffff  }
0xfb: {  	v8 =	vld.idx.msk [tilespmem:v8+s2+$0x0], $0xffff  }
0xfc: {  	v15 =	vld.idx.msk [tilespmem:v15+s2+$0x0], $0xffff;
	v2 =	vadd.s32 s30, v11  }
0xfd: {  	v24 =	vadd.s32 s23, v10;
	v10 =	vld [tilespmem:$0x1FF90]  }
0xfe: {  	v1 =	vadd.f32 v4, v1;
	v4 =	vadd.s32 s30, v19;
	v13 =	vld.idx.msk [tilespmem:v13+s2+$0x0], $0xffff  }
0xff: {  	v6 =	vld.idx.msk [tilespmem:v6+s2+$0x0], $0xffff  }
0x100: {  	v9 =	vadd.s32 s30, v18;
	v5 =	vld.idx.msk [tilespmem:v5+s2+$0x0], $0xffff  }
0x101: {  	v14 =	vadd.s32 s30, v21;
	v2 =	vld.idx.msk [tilespmem:v2+s2+$0x0], $0xffff  }
0x102: {  	v18 =	vadd.s32 s23, v10;
	v10 =	vld [tilespmem:$0x1FF60]  }
0x103: {  	v17 =	vadd.s32 s30, v23;
	v4 =	vld.idx.msk [tilespmem:v4+s2+$0x0], $0xffff  }
0x104: {  	s9 =	sand.u32 $0x200, s20;
	v19 =	vadd.s32 s31, v23;
	v7 =	vld.idx.msk [tilespmem:v7+s2+$0x0], $0xffff  }
0x105: {  	s11 =	sadd.s32 s9, s26;
	v21 =	vadd.s32 s30, v27;
	v9 =	vld.idx.msk [tilespmem:v9+s2+$0x0], $0xffff  }
0x106: {  	[tilespmem:v26+s11+$0x0 ss:$0x1] =	vst.idx.msk $0xffff, v1;
	v1 =	vadd.s32 s30, v12;
	v14 =	vld.idx.msk [tilespmem:v14+s2+$0x0], $0xffff  }
0x107: {  	s9 =	sadd.s32 s9, s25;
	v25 =	vadd.s32 s23, v10;
	v10 =	vld [tilespmem:$0x1FF50]  }
0x108: {  	[tilespmem:v26+s9+$0x9880 ss:$0x1] =	vst.idx.msk $0xffff, v3;
	v3 =	vadd.s32 s31, v12;
	v17 =	vld.idx.msk [tilespmem:v17+s2+$0x0], $0xffff  }
0x109: {  	v59 =	vadd.s32 s30, v30;
	v63 =	vld.idx.msk [tilespmem:v19+s2+$0x0], $0xffff  }
0x10a: {  	v62 =	vadd.s32 s31, v29;
	v21 =	vld.idx.msk [tilespmem:v21+s2+$0x0], $0xffff  }
0x10b: {  	v1 =	vld.idx.msk [tilespmem:v1+s2+$0x0], $0xffff  }
0x10c: {  	v58 =	vadd.s32 s31, v27;
	v49 =	vadd.s32 s31, v30;
	v50 =	vadd.s32 s23, v10;
	v10 =	vld [tilespmem:$0x1FF40]  }
0x10d: {  	v48 =	vadd.s32 s31, v28;
	v45 =	vadd.s32 s31, v11;
	v23 =	vadd.s32 s30, v28;
	v3 =	vld.idx.msk [tilespmem:v3+s2+$0x0], $0xffff  }
0x10e: {  	v52 =	vadd.s32 s30, v29;
	v43 =	vunpack.i.u.bf16.f32 v4;
	v34 =	vunpack.i.l.bf16.f32 v4;
	v4 =	vld.idx.msk [tilespmem:v59+s2+$0x0], $0xffff  }
0x10f: {  	v55 =	vadd.s32 s30, v31;
	v53 =	vunpack.i.u.bf16.f32 v9;
	v57 =	vunpack.i.l.bf16.f32 v9;
	v9 =	vld.idx.msk [tilespmem:v62+s2+$0x0], $0xffff  }
0x110: {  	v32 =	vunpack.i.u.bf16.f32 v0;
	v35 =	vunpack.i.l.bf16.f32 v0;
	v39 =	vunpack.i.u.bf16.f32 v8;
	v29 =	vld.idx.msk [tilespmem:v16+s2+$0x0], $0xffff  }
0x111: {  	v37 =	vunpack.i.u.bf16.f32 v5;
	v0 =	vunpack.i.u.bf16.f32 v1;
	v51 =	vadd.s32 s23, v10;
	v10 =	vld [tilespmem:$0x1FF20]  }
0x112: {  	v33 =	vunpack.i.l.bf16.f32 v5;
	v36 =	vunpack.i.u.bf16.f32 v2;
	[tilespmem:$0x1FEE0] =	vst v0;
	v0 =	vunpack.i.l.bf16.f32 v1;
	v1 =	vld.idx.msk [tilespmem:v23+s2+$0x0], $0xffff  }
0x113: {  	v40 =	vunpack.i.l.bf16.f32 v3;
	[tilespmem:$0x1FEF0] =	vst v0;
	v0 =	vunpack.i.l.bf16.f32 v2;
	v2 =	vunpack.i.u.bf16.f32 v3;
	v3 =	vld.idx.msk [tilespmem:v48+s2+$0x0], $0xffff  }
0x114: {  	v5 =	vadd.s32 s31, v31;
	v46 =	vunpack.i.u.bf16.f32 v7;
	v48 =	vunpack.i.l.bf16.f32 v7;
	v7 =	vld.idx.msk [tilespmem:v52+s2+$0x0], $0xffff  }
0x115: {  	v61 =	vunpack.i.l.bf16.f32 v15;
	v42 =	vunpack.i.u.bf16.f32 v6;
	[tilespmem:$0x1FF10] =	vst v2;
	v2 =	vunpack.i.l.bf16.f32 v6;
	v6 =	vld.idx.msk [tilespmem:v49+s2+$0x0], $0xffff  }
0x116: {  	v56 =	vunpack.i.l.bf16.f32 v13;
	v60 =	vunpack.i.l.bf16.f32 v14;
	v54 =	vadd.s32 s23, v10;
	v10 =	vld [tilespmem:$0x1FFA0]  }
0x117: {  	v59 =	vunpack.i.u.bf16.f32 v15;
	v15 =	vunpack.i.l.bf16.f32 v17;
	v49 =	vunpack.i.l.bf16.f32 v8;
	v8 =	vld.idx.msk [tilespmem:v55+s2+$0x0], $0xffff  }
0x118: {  	v19 =	vunpack.i.u.bf16.f32 v21;
	v21 =	vunpack.i.l.bf16.f32 v21;
	v52 =	vunpack.i.u.bf16.f32 v13;
	[tilespmem:$0x1FF00] =	vst v0;
	v0 =	vld.idx.msk [tilespmem:v58+s2+$0x0], $0xffff  }
0x119: {  	v13 =	vunpack.i.u.bf16.f32 v17;
	v17 =	vunpack.i.l.bf16.f32 v63;
	v58 =	vunpack.i.u.bf16.f32 v14;
	v5 =	vld.idx.msk [tilespmem:v5+s2+$0x0], $0xffff  }
0x11a: {  	v14 =	vunpack.i.u.bf16.f32 v63;
	v12 =	vunpack.i.u.bf16.f32 v4;
	v27 =	vunpack.i.l.bf16.f32 v4;
	v22 =	vld.idx.msk [tilespmem:v22+s2+$0x0], $0xffff  }
0x11b: {  	v55 =	vunpack.i.u.bf16.f32 v9;
	[tilespmem:$0x1FF30] =	vst v2;
	v2 =	vunpack.i.u.bf16.f32 v3;
	v47 =	vadd.s32 s23, v10;
	v10 =	vld [tilespmem:$0x1FFB0]  }
0x11c: {  	v11 =	vunpack.i.l.bf16.f32 v3;
	v4 =	vunpack.i.u.bf16.f32 v8;
	v8 =	vunpack.i.l.bf16.f32 v8;
	v16 =	vld.idx.msk [tilespmem:v25+s2+$0x0], $0xffff  }
0x11d: {  	v23 =	vunpack.i.u.bf16.f32 v0;
	v0 =	vunpack.i.l.bf16.f32 v0;
	v8 =	vadd.f32 $0.0e+00, v8;
	v63 =	vld.idx.msk [tilespmem:v50+s2+$0x0], $0xffff  }
0x11e: {  	v28 =	vunpack.i.u.bf16.f32 v6;
	v50 =	vunpack.i.u.bf16.f32 v7;
	v7 =	vunpack.i.l.bf16.f32 v7;
	v3 =	vld.idx.msk [tilespmem:v51+s2+$0x0], $0xffff  }
0x11f: {  	v6 =	vunpack.i.l.bf16.f32 v6;
	v25 =	vadd.f32 $0.0e+00, v4;
	v8 =	vadd.f32 v7, v8;
	v62 =	vld.idx.msk [tilespmem:v54+s2+$0x0], $0xffff  }
0x120: {  	v54 =	vunpack.i.u.bf16.f32 v5;
	v5 =	vunpack.i.l.bf16.f32 v5;
	v44 =	vadd.s32 s23, v10;
	v10 =	vld [tilespmem:$0x1FFC0]  }
0x121: {  	v4 =	vld.idx.msk [tilespmem:v24+s2+$0x0], $0xffff;
	v25 =	vadd.f32 v50, v25;
	v7 =	vunpack.i.l.bf16.f32 v9;
	v5 =	vadd.f32 $0.0e+00, v5  }
0x122: {  	v8 =	vadd.f32 v27, v8;
	v27 =	vunpack.i.l.bf16.f32 v22;
	v24 =	vadd.f32 $0.0e+00, v54  }
0x123: {  	v12 =	vadd.f32 v12, v25;
	v54 =	vunpack.i.u.bf16.f32 v3;
	v9 =	vadd.f32 v7, v5  }
0x124: {  	v24 =	vadd.f32 v55, v24;
	v5 =	vld.idx.msk [tilespmem:v20+s2+$0x0], $0xffff;
	v55 =	vunpack.i.l.bf16.f32 v3;
	v3 =	vunpack.i.l.bf16.f32 v29  }
0x125: {  	v7 =	vunpack.i.u.bf16.f32 v29;
	v20 =	vadd.f32 $0.0e+00, v3;
	v41 =	vadd.s32 s23, v10;
	v10 =	vld [tilespmem:$0x1FFD0]  }
0x126: {  	v3 =	vunpack.i.u.bf16.f32 v16;
	v29 =	vadd.f32 $0.0e+00, v7;
	v7 =	vunpack.i.u.bf16.f32 v4  }
0x127: {  	p0 =	slt.u32 s24, $0x3C;
	v50 =	vunpack.i.u.bf16.f32 v62;
	v51 =	vunpack.i.l.bf16.f32 v62;
	v62 =	vunpack.i.u.bf16.f32 v63  }
.Ltmp0:
0x128: {  	v30 =	vadd.f32 v6, v9;
	v6 =	vunpack.i.u.bf16.f32 v22;
	v22 =	vadd.f32 v28, v24;
	(pc) =	sbr.rel @p0 .LBB2_3-.Ltmp0, $4  }
0x129: {  	v63 =	vunpack.i.l.bf16.f32 v63;
	v20 =	vadd.f32 v27, v20;
	v24 =	vadd.f32 v6, v29  }
0x12a: {  	v38 =	vadd.s32 s23, v10;
	v10 =	vunpack.i.u.bf16.f32 v1;
	v1 =	vunpack.i.l.bf16.f32 v1  }
0x12b: {  	s25 =	sadd.s32 $0x3, s24;
	v6 =	vld.idx.msk [tilespmem:v18+s2+$0x0], $0xffff;
	v9 =	vunpack.i.l.bf16.f32 v5;
	v18 =	vadd.f32 v1, v8;
	v25 =	vadd.f32 v10, v12  }
0x12c: {  	s23 =	smov.u32 s24;
	s24 =	sadd.s32 $0x4, s24;
	v1 =	vadd.f32 v11, v30;
	v8 =	vadd.s32 s25, v31;
	v31 =	vmovc v37;
	v37 =	vmovc v41;
	v41 =	vmov v44  }
0x12d: {  	v9 =	vadd.f32 v9, v20  }
0x12e: {  	v2 =	vadd.f32 v2, v22;
	v5 =	vunpack.i.u.bf16.f32 v5;
	v10 =	vadd.f32 v21, v18  }
0x12f: {  	v11 =	vadd.f32 v19, v25;
	v21 =	vunpack.i.l.bf16.f32 v4;
	v5 =	vadd.f32 v5, v24  }
0x130: {  	v22 =	vld [tilespmem:$0x1FE40];
	v0 =	vadd.f32 v0, v1;
	v1 =	vadd.f32 v21, v9  }
0x131: {  	v8 =	vld.idx.msk [tilespmem:v8+s2+$0x0], $0xffff;
	v2 =	vadd.f32 v23, v2;
	v23 =	vadd.f32 v15, v10  }
0x132: {  	v29 =	vld [tilespmem:$0x1FED0];
	v25 =	vadd.f32 v13, v11;
	v5 =	vadd.f32 v7, v5;
	v27 =	vunpack.i.l.bf16.f32 v6  }
0x133: {  	v30 =	vld [tilespmem:$0x1FEC0];
	v12 =	vunpack.i.l.bf16.f32 v16;
	v0 =	vadd.f32 v17, v0;
	v1 =	vadd.f32 v27, v1  }
0x134: {  	v24 =	vld [tilespmem:$0x1FEA0];
	v28 =	vunpack.i.u.bf16.f32 v6;
	v2 =	vadd.f32 v14, v2;
	v7 =	vadd.f32 v60, v23  }
0x135: {  	v44 =	vld [tilespmem:$0x1FEB0];
	v10 =	vadd.f32 v58, v25;
	v4 =	vadd.s32 s25, v22;
	v5 =	vadd.f32 v28, v5  }
0x136: {  	v16 =	vld [tilespmem:$0x1FE50];
	v0 =	vadd.f32 v61, v0;
	v58 =	vunpack.i.l.bf16.f32 v8;
	v1 =	vadd.f32 v12, v1  }
0x137: {  	v18 =	vld [tilespmem:$0x1FE30];
	v8 =	vunpack.i.u.bf16.f32 v8;
	v2 =	vadd.f32 v59, v2;
	v7 =	vadd.f32 v57, v7  }
0x138: {  	v20 =	vld [tilespmem:$0x1FE20];
	v8 =	vadd.f32 $0.0e+00, v8;
	v10 =	vadd.f32 v53, v10  }
0x139: {  	v14 =	vld [tilespmem:$0x1FE70];
	v9 =	vadd.s32 s25, v24;
	v3 =	vadd.f32 v3, v5;
	v5 =	vadd.f32 $0.0e+00, v58  }
0x13a: {  	v59 =	vld [tilespmem:$0x1FE90];
	v0 =	vadd.f32 v56, v0;
	v2 =	vadd.f32 v52, v2  }
0x13b: {  	v6 =	vadd.s32 s25, v29;
	v1 =	vadd.f32 v63, v1;
	v10 =	vadd.f32 v46, v10;
	v46 =	vld [tilespmem:$0x1FEF0]  }
0x13c: {  	v11 =	vadd.s32 s25, v30;
	v7 =	vadd.f32 v48, v7;
	v3 =	vadd.f32 v62, v3;
	v4 =	vld.idx.msk [tilespmem:v4+s2+$0x0], $0xffff  }
0x13d: {  	v0 =	vadd.f32 v49, v0;
	v49 =	vld.idx.msk [tilespmem:v41+s2+$0x0], $0xffff;
	v2 =	vadd.f32 v39, v2  }
0x13e: {  	v1 =	vadd.f32 v55, v1;
	v7 =	vadd.f32 v34, v7;
	v9 =	vld.idx.msk [tilespmem:v9+s2+$0x0], $0xffff  }
0x13f: {  	v23 =	vld [tilespmem:$0x1FE10];
	v12 =	vadd.s32 s25, v44;
	v29 =	vadd.f32 v43, v10;
	v3 =	vadd.f32 v54, v3  }
0x140: {  	v6 =	vld.idx.msk [tilespmem:v6+s2+$0x0], $0xffff;
	v13 =	vadd.s32 s25, v59;
	v2 =	vadd.f32 v42, v2;
	v1 =	vadd.f32 v51, v1  }
0x141: {  	v11 =	vld.idx.msk [tilespmem:v11+s2+$0x0], $0xffff;
	v3 =	vadd.f32 v50, v3;
	v7 =	vadd.f32 v46, v7;
	v60 =	vunpack.i.l.bf16.f32 v4  }
0x142: {  	v34 =	vld [tilespmem:$0x1FF30];
	v56 =	vunpack.i.l.bf16.f32 v49;
	v4 =	vunpack.i.u.bf16.f32 v4;
	v5 =	vadd.f32 v60, v5  }
0x143: {  	v43 =	vld.idx.msk [tilespmem:v47+s2+$0x0], $0xffff;
	v4 =	vadd.f32 v4, v8;
	v61 =	vunpack.i.l.bf16.f32 v9;
	v8 =	vadd.s32 s25, v14  }
0x144: {  	v12 =	vld.idx.msk [tilespmem:v12+s2+$0x0], $0xffff;
	v58 =	vunpack.i.u.bf16.f32 v49;
	v9 =	vunpack.i.u.bf16.f32 v9;
	v5 =	vadd.f32 v61, v5  }
0x145: {  	v22 =	vld [tilespmem:$0x1FFE0];
	v15 =	vunpack.i.l.bf16.f32 v6;
	v4 =	vadd.f32 v9, v4;
	v9 =	vadd.s32 s25, v16  }
0x146: {  	v6 =	vunpack.i.u.bf16.f32 v6;
	v17 =	vunpack.i.l.bf16.f32 v11;
	v13 =	vld.idx.msk [tilespmem:v13+s2+$0x0], $0xffff;
	v5 =	vadd.f32 v15, v5  }
0x147: {  	v52 =	vld.idx.msk [tilespmem:v37+s2+$0x0], $0xffff;
	v11 =	vunpack.i.u.bf16.f32 v11;
	v4 =	vadd.f32 v6, v4;
	v6 =	vadd.s32 s25, v18  }
0x148: {  	v0 =	vadd.f32 v34, v0;
	v50 =	vunpack.i.l.bf16.f32 v43;
	v8 =	vld.idx.msk [tilespmem:v8+s2+$0x0], $0xffff;
	v5 =	vadd.f32 v17, v5  }
0x149: {  	v54 =	vld.idx.msk [tilespmem:v38+s2+$0x0], $0xffff;
	v19 =	vunpack.i.l.bf16.f32 v12;
	v4 =	vadd.f32 v11, v4;
	v11 =	vadd.s32 s25, v20  }
0x14a: {  	v12 =	vunpack.i.u.bf16.f32 v12;
	v1 =	vadd.f32 v50, v1;
	v9 =	vld.idx.msk [tilespmem:v9+s2+$0x0], $0xffff;
	v5 =	vadd.f32 v19, v5  }
0x14b: {  	v21 =	vunpack.i.l.bf16.f32 v13;
	v4 =	vadd.f32 v12, v4;
	v12 =	vadd.s32 s25, v22  }
0x14c: {  	v60 =	vunpack.i.l.bf16.f32 v52;
	v13 =	vunpack.i.u.bf16.f32 v13;
	v6 =	vld.idx.msk [tilespmem:v6+s2+$0x0], $0xffff;
	v5 =	vadd.f32 v21, v5  }
0x14d: {  	v51 =	vld [tilespmem:$0x1FF10];
	v4 =	vadd.f32 v13, v4;
	v13 =	vadd.s32 s25, v23;
	v24 =	vunpack.i.l.bf16.f32 v8  }
0x14e: {  	v62 =	vunpack.i.l.bf16.f32 v54;
	v8 =	vunpack.i.u.bf16.f32 v8;
	v11 =	vld.idx.msk [tilespmem:v11+s2+$0x0], $0xffff;
	v5 =	vadd.f32 v24, v5  }
0x14f: {  	v48 =	vld [tilespmem:$0x1FEE0];
	v1 =	vadd.f32 v56, v1;
	v4 =	vadd.f32 v8, v4;
	v25 =	vunpack.i.l.bf16.f32 v9  }
0x150: {  	v0 =	vadd.f32 v40, v0;
	v9 =	vunpack.i.u.bf16.f32 v9;
	v27 =	vld.idx.msk [tilespmem:v12+s2+$0x0], $0xffff;
	v5 =	vadd.f32 v25, v5  }
0x151: {  	v53 =	vld [tilespmem:$0x1FF00];
	v1 =	vadd.f32 v60, v1;
	v4 =	vadd.f32 v9, v4;
	v28 =	vunpack.i.l.bf16.f32 v6  }
0x152: {  	s0 =	sadd.s32 $0x400, s22;
	s20 =	sadd.s32 $0x200, s20;
	s18 =	sadd.s32 $0x1, s18;
	v2 =	vadd.f32 v51, v2;
	v6 =	vunpack.i.u.bf16.f32 v6;
	v30 =	vld.idx.msk [tilespmem:v13+s2+$0x0], $0xffff;
	v5 =	vadd.f32 v28, v5  }
0x153: {  	s1 =	sand.u32 $0x3800, s0;
	s9 =	sadd.s32 $0x4100, s0;
	s11 =	sadd.s32 $0x180, s20;
	v1 =	vadd.f32 v62, v1;
	v4 =	vadd.f32 v6, v4;
	v39 =	vunpack.i.l.bf16.f32 v11  }
0x154: {  	v45 =	vld.idx.msk [tilespmem:v45+s2+$0x0], $0xffff;
	s29 =	sadd.s32 $0x4300, s0;
	s30 =	sadd.s32 $0x2180, s20;
	s0 =	sadd.s32 $0x4200, s0;
	v9 =	vadd.f32 v48, v29;
	v11 =	vunpack.i.u.bf16.f32 v11;
	v5 =	vadd.f32 v39, v5  }
0x155: {  	s31 =	sadd.s32 $0x80, s20;
	s24 =	sadd.s32 $0x2080, s20;
	s26 =	sadd.s32 $0x2100, s20;
	v6 =	vunpack.i.u.bf16.f32 v43;
	v4 =	vadd.f32 v11, v4;
	v44 =	vunpack.i.l.bf16.f32 v27  }
0x156: {  	p0 =	sne.s32 s18, $0x10;
	s19 =	sor.u32 s19, s1;
	s11 =	sand.u32 $0x380, s11;
	v3 =	vadd.f32 v6, v3;
	v8 =	vunpack.i.u.bf16.f32 v27;
	v5 =	vadd.f32 v44, v5  }
0x157: {  	s1 =	sand.u32 $0x7800, s29;
	s29 =	sand.u32 $0x200, s20;
	s23 =	sadd.s32 $0x5880, s19;
	v6 =	vadd.f32 v53, v7;
	v4 =	vadd.f32 v8, v4;
	v47 =	vunpack.i.l.bf16.f32 v30  }
0x158: {  	s22 =	sand.u32 $0x380, s30;
	s9 =	sand.u32 $0x7800, s9;
	s30 =	sadd.s32 s29, s23;
	v9 =	vadd.f32 v36, v9;
	v10 =	vunpack.i.u.bf16.f32 v30;
	v5 =	vadd.f32 v47, v5  }
0x159: {  	s0 =	sand.u32 $0x7800, s0;
	s1 =	sadd.s32 s1, s21;
	s11 =	sadd.s32 s11, s23;
	[tilespmem:v26+s30+$0x0 ss:$0x1] =	vst.idx.msk $0xffff, v1;
	v57 =	vadd.f32 v33, v6;
	v8 =	vunpack.i.l.bf16.f32 v45;
	v4 =	vadd.f32 v10, v4  }
0x15a: {  	s13 =	sand.u32 $0x280, s31;
	s9 =	sadd.s32 s9, s21;
	s1 =	sadd.s32 s22, s1;
	v55 =	vunpack.i.u.bf16.f32 v45;
	v3 =	vadd.f32 v58, v3;
	v0 =	vadd.f32 v8, v0;
	[tilespmem:v26+s11+$0x0 ss:$0x1] =	vst.idx.msk $0xffff, v5  }
0x15b: {  	s22 =	sadd.s32 $0x100, s20;
	v61 =	vunpack.i.u.bf16.f32 v52;
	v2 =	vadd.f32 v55, v2;
	s25 =	sand.u32 $0x280, s24;
	v59 =	vadd.f32 v31, v9;
	s11 =	sadd.s32 s13, s23;
	[tilespmem:v26+s1+$0x0 ss:$0x1] =	vst.idx.msk $0xffff, v4  }
.Ltmp1:
0x15c: {  	s9 =	sadd.s32 s25, s9;
	v3 =	vadd.f32 v61, v3;
	v0 =	vadd.f32 v35, v0;
	[tilespmem:v26+s11+$0x0 ss:$0x1] =	vst.idx.msk $0xffff, v57;
	s1 =	sand.u32 $0x300, s22;
	(pc) =	sbr.rel @p0 .LBB2_2-.Ltmp1, $4  }
0x15d: {  	s28 =	sand.u32 $0x300, s26;
	s0 =	sadd.s32 s0, s21;
	v63 =	vunpack.i.u.bf16.f32 v54;
	v2 =	vadd.f32 v32, v2;
	[tilespmem:v26+s9+$0x0 ss:$0x1] =	vst.idx.msk $0xffff, v59;
	s1 =	sadd.s32 s1, s23  }
0x15e: {  	s0 =	sadd.s32 s28, s0;
	[tilespmem:v26+s1+$0x0 ss:$0x1] =	vst.idx.msk $0xffff, v0;
	v0 =	vadd.f32 v63, v3  }
0x15f: {  	s31 =	sadd.s32 s29, s19;
	[tilespmem:v26+s0+$0x0 ss:$0x1] =	vst.idx.msk $0xffff, v2  }
0x160: {  	[tilespmem:v26+s31+$0x9880 ss:$0x1] =	vst.idx.msk $0xffff, v0  }
0x161: {  	s0 =	simm.s32 $0x5880;
	s18 =	simm.s32 $0x0;
	s19 =	simm.s32 $0x0  }
0x162: {  	[hbm4b:s5+s12] =	stream.strided.scatter [tilespmem:s0], [sflag:$0x1], $0x8000, s10, s12, $0x38;
	[tilespmem:$0x15880] =	vst v63  }
.LBB2_6:
0x163: {  	s0 =	sshll.u32 s19, $0x4;
	s1 =	sshll.u32 s19, $0x7  }
0x164: {  	s22 =	sand.u32 $0x70, s0;
	s20 =	sand.u32 $0x400, s1  }
0x165: {  	s0 =	sor.u32 s22, s20  }
0x166: {  	v0 =	vld [tilespmem:s0+$0x4080]  }
0x167: {  	v1 =	vld [tilespmem:s0+$0x4100]  }
0x168: {  	v2 =	vld [tilespmem:s0+$0x4180]  }
0x169: {  	v3 =	vld [tilespmem:s0+$0x4200]  }
0x16a: {  	v4 =	vld [tilespmem:s0+$0x4280]  }
0x16b: {  	v5 =	vld [tilespmem:s0+$0x4300]  }
0x16c: {  	v6 =	vld [tilespmem:s0+$0x5280]  }
0x16d: {  	v7 =	vld [tilespmem:s0+$0x4400];
	v27 =	vmul.u32 $0x41, v0;
	v0 =	vmul.u32 $0x41, v1  }
0x16e: {  	v1 =	vld [tilespmem:s0+$0x4380];
	v2 =	vmul.u32 $0x41, v2;
	v3 =	vmul.u32 $0x41, v3  }
0x16f: {  	v53 =	vadd.s32 $0x451, v0;
	v56 =	vadd.s32 $0x455, v0;
	v0 =	vmul.u32 $0x41, v4;
	v4 =	vld [tilespmem:s0+$0x5200]  }
0x170: {  	v54 =	vadd.s32 $0x8A2, v2;
	v58 =	vadd.s32 $0x8A6, v2;
	v2 =	vmul.u32 $0x41, v5;
	v5 =	vld [tilespmem:s0+$0x5180]  }
0x171: {  	v6 =	vmul.u32 $0x41, v6;
	v51 =	vadd.s32 $0x1144, v0;
	v62 =	vadd.s32 $0x1148, v0;
	v0 =	vld [tilespmem:s0+$0x5100]  }
0x172: {  	v52 =	vadd.s32 $0xCF3, v3;
	v59 =	vadd.s32 $0xCF7, v3;
	v3 =	vld [tilespmem:s0+$0x5080]  }
0x173: {  	s23 =	simm.s32 $0x2;
	v10 =	vadd.s32 $0x33CC, v6;
	v49 =	vadd.s32 $0x1595, v2;
	v1 =	vmul.u32 $0x41, v1  }
0x174: {  	v57 =	vadd.s32 $0x1599, v2;
	v2 =	vmul.u32 $0x41, v7;
	v7 =	vadd.s32 s23, v10  }
0x175: {  	s21 =	simm.s32 $0x1;
	v48 =	vadd.s32 $0x19E6, v1;
	v60 =	vadd.s32 $0x19EA, v1;
	v1 =	vmul.u32 $0x41, v4  }
0x176: {  	v4 =	vmul.u32 $0x41, v5;
	v5 =	vadd.s32 s21, v10;
	v0 =	vmul.u32 $0x41, v0  }
0x177: {  	v43 =	vadd.s32 $0x1E37, v2;
	v61 =	vadd.s32 $0x1E3B, v2;
	v3 =	vmul.u32 $0x41, v3  }
0x178: {  	v11 =	vadd.s32 $0x2F7B, v1;
	v46 =	vadd.s32 $0x26D9, v0;
	v0 =	vadd.s32 $0x26DD, v0  }
0x179: {  	v12 =	vadd.s32 $0x2B2A, v4;
	v8 =	vadd.s32 s21, v11;
	[tilespmem:$0x1FDB0] =	vst v0;
	v0 =	vadd.s32 $0x2B2E, v4  }
0x17a: {  	v47 =	vadd.s32 $0x2288, v3;
	v1 =	vadd.s32 $0x2F7F, v1;
	v2 =	vadd.s32 s21, v12;
	[tilespmem:$0x1FDC0] =	vst v0  }
0x17b: {  	v63 =	vadd.s32 $0x228C, v3;
	v3 =	vadd.s32 s23, v12;
	v4 =	vld.idx.msk [tilespmem:v5+s2+$0x0], $0xffff;
	[tilespmem:$0x1FDD0] =	vst v1;
	v1 =	vadd.s32 $0x33D0, v6  }
0x17c: {  	v0 =	vadd.s32 s21, v46;
	[tilespmem:$0x1FDE0] =	vst v1  }
0x17d: {  	v6 =	vadd.s32 s21, v47;
	v5 =	vld.idx.msk [tilespmem:v7+s2+$0x0], $0xffff  }
0x17e: {  	v13 =	vadd.s32 s21, v27;
	v7 =	vld.idx.msk [tilespmem:v8+s2+$0x0], $0xffff  }
0x17f: {  	v21 =	vadd.s32 s23, v27;
	v14 =	vadd.s32 s21, v53;
	v1 =	vadd.s32 s23, v46;
	v2 =	vld.idx.msk [tilespmem:v2+s2+$0x0], $0xffff  }
0x180: {  	v22 =	vadd.s32 s21, v52;
	v24 =	vadd.s32 s21, v54;
	v25 =	vadd.s32 s23, v54;
	v3 =	vld.idx.msk [tilespmem:v3+s2+$0x0], $0xffff  }
0x181: {  	v41 =	vadd.s32 s23, v53;
	v42 =	vadd.s32 s23, v52;
	v18 =	vadd.s32 s21, v49;
	v0 =	vld.idx.msk [tilespmem:v0+s2+$0x0], $0xffff  }
0x182: {  	v19 =	vadd.s32 s23, v49;
	v20 =	vadd.s32 s21, v51;
	v23 =	vadd.s32 s23, v51;
	v6 =	vld.idx.msk [tilespmem:v6+s2+$0x0], $0xffff  }
0x183: {  	v9 =	vadd.s32 s21, v43;
	v44 =	vunpack.i.u.bf16.f32 v4;
	v29 =	vunpack.i.l.bf16.f32 v4;
	v4 =	vld.idx.msk [tilespmem:v13+s2+$0x0], $0xffff  }
0x184: {  	v16 =	vadd.s32 s23, v43;
	v15 =	vadd.s32 s21, v48;
	v17 =	vadd.s32 s23, v48;
	v1 =	vld.idx.msk [tilespmem:v1+s2+$0x0], $0xffff  }
0x185: {  	v8 =	vadd.s32 s23, v47;
	v26 =	vunpack.i.u.bf16.f32 v5;
	v28 =	vunpack.i.l.bf16.f32 v5;
	v5 =	vld.idx.msk [tilespmem:v14+s2+$0x0], $0xffff  }
0x186: {  	v30 =	vunpack.i.u.bf16.f32 v7;
	v33 =	vunpack.i.u.bf16.f32 v2;
	v36 =	vunpack.i.l.bf16.f32 v2;
	v2 =	vld.idx.msk [tilespmem:v21+s2+$0x0], $0xffff  }
0x187: {  	v31 =	vunpack.i.l.bf16.f32 v7;
	v34 =	vunpack.i.u.bf16.f32 v3;
	v35 =	vunpack.i.l.bf16.f32 v3  }
0x188: {  	v9 =	vld.idx.msk [tilespmem:v9+s2+$0x0], $0xffff;
	v38 =	vunpack.i.u.bf16.f32 v0;
	v40 =	vunpack.i.l.bf16.f32 v0;
	v13 =	vunpack.i.u.bf16.f32 v6  }
0x189: {  	v0 =	vld.idx.msk [tilespmem:v41+s2+$0x0], $0xffff;
	v14 =	vunpack.i.l.bf16.f32 v6;
	v3 =	vunpack.i.l.bf16.f32 v4;
	v4 =	vunpack.i.u.bf16.f32 v4  }
0x18a: {  	v7 =	vld.idx.msk [tilespmem:v27+s2+$0x0], $0xffff;
	v37 =	vunpack.i.u.bf16.f32 v1;
	v39 =	vunpack.i.l.bf16.f32 v1;
	v3 =	vadd.f32 $0.0e+00, v3  }
0x18b: {  	v1 =	vld.idx.msk [tilespmem:v24+s2+$0x0], $0xffff;
	v4 =	vadd.f32 $0.0e+00, v4;
	v6 =	vunpack.i.u.bf16.f32 v5;
	v24 =	vunpack.i.l.bf16.f32 v2  }
0x18c: {  	v5 =	vunpack.i.l.bf16.f32 v5;
	v2 =	vunpack.i.u.bf16.f32 v2;
	v24 =	vadd.f32 $0.0e+00, v24  }
0x18d: {  	v21 =	vld.idx.msk [tilespmem:v25+s2+$0x0], $0xffff;
	v50 =	vunpack.i.u.bf16.f32 v9;
	v3 =	vadd.f32 v5, v3;
	v2 =	vadd.f32 $0.0e+00, v2  }
0x18e: {  	v5 =	vld.idx.msk [tilespmem:v53+s2+$0x0], $0xffff;
	v4 =	vadd.f32 v6, v4;
	v6 =	vunpack.i.l.bf16.f32 v0;
	v0 =	vunpack.i.u.bf16.f32 v0  }
0x18f: {  	v8 =	vld.idx.msk [tilespmem:v8+s2+$0x0], $0xffff;
	v9 =	vunpack.i.l.bf16.f32 v9;
	v6 =	vadd.f32 v6, v24;
	v0 =	vadd.f32 v0, v2  }
0x190: {  	v22 =	vld.idx.msk [tilespmem:v22+s2+$0x0], $0xffff;
	v2 =	vunpack.i.l.bf16.f32 v7;
	v7 =	vunpack.i.u.bf16.f32 v7;
	v24 =	vunpack.i.u.bf16.f32 v1  }
0x191: {  	v25 =	vld.idx.msk [tilespmem:v42+s2+$0x0], $0xffff;
	v1 =	vunpack.i.l.bf16.f32 v1;
	v2 =	vadd.f32 $0.0e+00, v2;
	v7 =	vadd.f32 $0.0e+00, v7  }
0x192: {  	v16 =	vld.idx.msk [tilespmem:v16+s2+$0x0], $0xffff;
	v1 =	vadd.f32 v1, v3;
	v3 =	vunpack.i.u.bf16.f32 v21;
	v21 =	vunpack.i.l.bf16.f32 v21  }
0x193: {  	v20 =	vld.idx.msk [tilespmem:v20+s2+$0x0], $0xffff;
	v4 =	vadd.f32 v24, v4;
	v24 =	vunpack.i.l.bf16.f32 v5;
	v6 =	vadd.f32 v21, v6  }
0x194: {  	v21 =	vld.idx.msk [tilespmem:v54+s2+$0x0], $0xffff;
	v3 =	vadd.f32 v3, v0;
	v5 =	vunpack.i.u.bf16.f32 v5;
	v0 =	vunpack.i.l.bf16.f32 v8  }
0x195: {  	v2 =	vadd.f32 v24, v2;
	v24 =	vld.idx.msk [tilespmem:v15+s2+$0x0], $0xffff;
	v15 =	vunpack.i.u.bf16.f32 v8;
	v5 =	vadd.f32 v5, v7  }
0x196: {  	v7 =	vunpack.i.l.bf16.f32 v22;
	v8 =	vld.idx.msk [tilespmem:v23+s2+$0x0], $0xffff;
	v22 =	vunpack.i.u.bf16.f32 v22;
	v23 =	vunpack.i.u.bf16.f32 v25  }
0x197: {  	v1 =	vadd.f32 v7, v1;
	v7 =	vunpack.i.l.bf16.f32 v25;
	v4 =	vadd.f32 v22, v4  }
0x198: {  	v22 =	vld.idx.msk [tilespmem:v52+s2+$0x0], $0xffff;
	v3 =	vadd.f32 v23, v3;
	v23 =	vunpack.i.u.bf16.f32 v16;
	v16 =	vunpack.i.l.bf16.f32 v16  }
0x199: {  	v18 =	vld.idx.msk [tilespmem:v18+s2+$0x0], $0xffff;
	v6 =	vadd.f32 v7, v6;
	v7 =	vunpack.i.l.bf16.f32 v21;
	v21 =	vunpack.i.u.bf16.f32 v21  }
0x19a: {  	v2 =	vadd.f32 v7, v2;
	v7 =	vunpack.i.u.bf16.f32 v24;
	v24 =	vunpack.i.l.bf16.f32 v24  }
0x19b: {  	v19 =	vld.idx.msk [tilespmem:v19+s2+$0x0], $0xffff;
	v5 =	vadd.f32 v21, v5;
	v21 =	vunpack.i.l.bf16.f32 v20;
	v20 =	vunpack.i.u.bf16.f32 v20  }
0x19c: {  	v1 =	vadd.f32 v21, v1;
	v21 =	vunpack.i.l.bf16.f32 v8;
	v4 =	vadd.f32 v20, v4  }
0x19d: {  	v17 =	vld.idx.msk [tilespmem:v17+s2+$0x0], $0xffff;
	v8 =	vunpack.i.u.bf16.f32 v8;
	v6 =	vadd.f32 v21, v6;
	v21 =	vunpack.i.l.bf16.f32 v22  }
0x19e: {  	s21 =	simm.s32 $0x3;
	v20 =	vld.idx.msk [tilespmem:v51+s2+$0x0], $0xffff;
	v3 =	vadd.f32 v8, v3;
	v8 =	vunpack.i.u.bf16.f32 v18;
	v22 =	vunpack.i.u.bf16.f32 v22  }
0x19f: {  	v18 =	vunpack.i.l.bf16.f32 v18;
	v2 =	vadd.f32 v21, v2;
	v21 =	vadd.s32 s21, v27  }
0x1a0: {  	v5 =	vadd.f32 v22, v5;
	v1 =	vadd.f32 v18, v1;
	v18 =	vunpack.i.l.bf16.f32 v19  }
0x1a1: {  	v4 =	vadd.f32 v8, v4;
	v19 =	vunpack.i.u.bf16.f32 v19;
	v6 =	vadd.f32 v18, v6  }
0x1a2: {  	v8 =	vld.idx.msk [tilespmem:v49+s2+$0x0], $0xffff;
	v3 =	vadd.f32 v19, v3;
	v19 =	vunpack.i.u.bf16.f32 v17;
	v17 =	vunpack.i.l.bf16.f32 v17  }
0x1a3: {  	v1 =	vadd.f32 v24, v1;
	v4 =	vadd.f32 v7, v4;
	v18 =	vunpack.i.l.bf16.f32 v20  }
0x1a4: {  	v20 =	vunpack.i.u.bf16.f32 v20;
	v6 =	vadd.f32 v17, v6;
	v3 =	vadd.f32 v19, v3  }
0x1a5: {  	v22 =	vadd.s32 s21, v53;
	v2 =	vadd.f32 v18, v2;
	v5 =	vadd.f32 v20, v5  }
0x1a6: {  	v18 =	vadd.s32 s21, v54;
	v1 =	vadd.f32 v9, v1;
	v4 =	vadd.f32 v50, v4  }
0x1a7: {  	v24 =	vunpack.i.u.bf16.f32 v8;
	v8 =	vunpack.i.l.bf16.f32 v8;
	v6 =	vadd.f32 v16, v6  }
0x1a8: {  	v21 =	vld.idx.msk [tilespmem:v21+s2+$0x0], $0xffff;
	v3 =	vadd.f32 v23, v3;
	v2 =	vadd.f32 v8, v2  }
0x1a9: {  	v20 =	vadd.s32 s21, v52;
	v5 =	vadd.f32 v24, v5;
	v1 =	vadd.f32 v14, v1  }
0x1aa: {  	v25 =	vadd.s32 s21, v49;
	v22 =	vld.idx.msk [tilespmem:v22+s2+$0x0], $0xffff;
	v4 =	vadd.f32 v13, v4;
	v0 =	vadd.f32 v0, v6  }
0x1ab: {  	v17 =	vadd.s32 s21, v51;
	v3 =	vadd.f32 v15, v3;
	v1 =	vadd.f32 v40, v1  }
0x1ac: {  	v16 =	vadd.s32 s21, v48;
	v4 =	vadd.f32 v38, v4;
	v8 =	vld.idx.msk [tilespmem:v18+s2+$0x0], $0xffff;
	v0 =	vadd.f32 v39, v0  }
0x1ad: {  	v3 =	vadd.f32 v37, v3;
	v18 =	vunpack.i.l.bf16.f32 v21;
	v1 =	vadd.f32 v36, v1  }
0x1ae: {  	v4 =	vadd.f32 v33, v4;
	v9 =	vadd.f32 $0.0e+00, v18;
	v18 =	vld.idx.msk [tilespmem:v20+s2+$0x0], $0xffff;
	v20 =	vunpack.i.u.bf16.f32 v21  }
0x1af: {  	v24 =	vld.idx.msk [tilespmem:v48+s2+$0x0], $0xffff;
	v21 =	vunpack.i.l.bf16.f32 v22;
	v0 =	vadd.f32 v35, v0;
	v20 =	vadd.f32 $0.0e+00, v20  }
0x1b0: {  	v22 =	vunpack.i.u.bf16.f32 v22;
	v3 =	vadd.f32 v34, v3;
	v9 =	vadd.f32 v21, v9  }
0x1b1: {  	v17 =	vld.idx.msk [tilespmem:v17+s2+$0x0], $0xffff;
	v1 =	vadd.f32 v31, v1;
	v20 =	vadd.f32 v22, v20;
	v22 =	vunpack.i.l.bf16.f32 v8  }
0x1b2: {  	v4 =	vadd.f32 v30, v4;
	v8 =	vunpack.i.u.bf16.f32 v8;
	v9 =	vadd.f32 v22, v9  }
0x1b3: {  	v22 =	vadd.s32 s21, v43;
	v8 =	vadd.f32 v8, v20;
	v20 =	vunpack.i.l.bf16.f32 v18  }
0x1b4: {  	v25 =	vld.idx.msk [tilespmem:v25+s2+$0x0], $0xffff;
	v50 =	vadd.f32 v29, v1;
	v9 =	vadd.f32 v20, v9;
	v20 =	vunpack.i.l.bf16.f32 v24  }
0x1b5: {  	v18 =	vunpack.i.u.bf16.f32 v18;
	v2 =	vadd.f32 v20, v2;
	v20 =	vadd.s32 s21, v47  }
0x1b6: {  	v16 =	vld.idx.msk [tilespmem:v16+s2+$0x0], $0xffff;
	v24 =	vunpack.i.u.bf16.f32 v24;
	v8 =	vadd.f32 v18, v8;
	v18 =	vunpack.i.l.bf16.f32 v17  }
0x1b7: {  	v17 =	vunpack.i.u.bf16.f32 v17;
	v9 =	vadd.f32 v18, v9;
	v18 =	vadd.s32 s21, v46  }
0x1b8: {  	v5 =	vadd.f32 v24, v5;
	v22 =	vld.idx.msk [tilespmem:v22+s2+$0x0], $0xffff;
	v8 =	vadd.f32 v17, v8  }
0x1b9: {  	v19 =	vld.idx.msk [tilespmem:v43+s2+$0x0], $0xffff;
	v24 =	vadd.s32 s21, v12;
	v17 =	vunpack.i.l.bf16.f32 v25;
	v25 =	vunpack.i.u.bf16.f32 v25  }
0x1ba: {  	v9 =	vadd.f32 v17, v9;
	v8 =	vadd.f32 v25, v8;
	v20 =	vld.idx.msk [tilespmem:v20+s2+$0x0], $0xffff  }
0x1bb: {  	v14 =	vunpack.i.l.bf16.f32 v16;
	v16 =	vunpack.i.u.bf16.f32 v16;
	v17 =	vadd.s32 s21, v11  }
0x1bc: {  	v32 =	vadd.s32 s23, v11;
	v9 =	vadd.f32 v14, v9;
	v18 =	vld.idx.msk [tilespmem:v18+s2+$0x0], $0xffff;
	v8 =	vadd.f32 v16, v8  }
0x1bd: {  	v7 =	vld.idx.msk [tilespmem:v47+s2+$0x0], $0xffff;
	v14 =	vadd.s32 s21, v10;
	v13 =	vunpack.i.l.bf16.f32 v22;
	v6 =	vunpack.i.u.bf16.f32 v22  }
0x1be: {  	v23 =	vunpack.i.u.bf16.f32 v19;
	v16 =	vld.idx.msk [tilespmem:v24+s2+$0x0], $0xffff;
	v9 =	vadd.f32 v13, v9;
	v6 =	vadd.f32 v6, v8  }
0x1bf: {  	v45 =	vadd.f32 v44, v4;
	v8 =	vunpack.i.l.bf16.f32 v20;
	v15 =	vunpack.i.u.bf16.f32 v20  }
0x1c0: {  	v19 =	vunpack.i.l.bf16.f32 v19;
	v13 =	vld.idx.msk [tilespmem:v17+s2+$0x0], $0xffff;
	v8 =	vadd.f32 v8, v9;
	v6 =	vadd.f32 v15, v6  }
0x1c1: {  	v2 =	vadd.f32 v19, v2;
	v9 =	vunpack.i.l.bf16.f32 v18;
	v15 =	vunpack.i.u.bf16.f32 v18  }
0x1c2: {  	v21 =	vunpack.i.u.bf16.f32 v7;
	v14 =	vld.idx.msk [tilespmem:v14+s2+$0x0], $0xffff;
	v8 =	vadd.f32 v9, v8;
	v6 =	vadd.f32 v15, v6  }
0x1c3: {  	v5 =	vadd.f32 v23, v5;
	v9 =	vunpack.i.l.bf16.f32 v16;
	v15 =	vld.idx.msk [tilespmem:v46+s2+$0x0], $0xffff;
	v16 =	vunpack.i.u.bf16.f32 v16  }
0x1c4: {  	v7 =	vunpack.i.l.bf16.f32 v7;
	v8 =	vadd.f32 v9, v8;
	v6 =	vadd.f32 v16, v6;
	v16 =	vld.idx.msk [tilespmem:v32+s2+$0x0], $0xffff  }
0x1c5: {  	v2 =	vadd.f32 v7, v2;
	v7 =	vunpack.i.u.bf16.f32 v13;
	v9 =	vunpack.i.l.bf16.f32 v13  }
0x1c6: {  	v8 =	vadd.f32 v9, v8;
	v6 =	vadd.f32 v7, v6;
	v9 =	vld.idx.msk [tilespmem:v12+s2+$0x0], $0xffff  }
0x1c7: {  	v5 =	vadd.f32 v21, v5;
	v13 =	vunpack.i.u.bf16.f32 v14;
	v7 =	vunpack.i.l.bf16.f32 v14  }
0x1c8: {  	v14 =	vadd.f32 v7, v8;
	v41 =	vadd.f32 v13, v6;
	v6 =	vld.idx.msk [tilespmem:v11+s2+$0x0], $0xffff;
	v8 =	vunpack.i.l.bf16.f32 v15  }
0x1c9: {  	v7 =	vunpack.i.u.bf16.f32 v15;
	v2 =	vadd.f32 v8, v2;
	v13 =	vunpack.i.l.bf16.f32 v16  }
0x1ca: {  	v5 =	vadd.f32 v7, v5;
	v7 =	vunpack.i.u.bf16.f32 v16;
	v0 =	vadd.f32 v13, v0  }
0x1cb: {  	v3 =	vadd.f32 v7, v3;
	v15 =	vunpack.i.l.bf16.f32 v9;
	v7 =	vunpack.i.u.bf16.f32 v9  }
0x1cc: {  	s24 =	simm.s32 $0x5;
	v8 =	vld.idx.msk [tilespmem:v10+s2+$0x0], $0xffff;
	v2 =	vadd.f32 v15, v2;
	v1 =	vadd.f32 v7, v5  }
0x1cd: {  	v37 =	vadd.f32 v26, v3;
	v3 =	vadd.s32 s24, v10;
	v4 =	vunpack.i.u.bf16.f32 v6  }
0x1ce: {  	[tilespmem:$0x1FC20] =	vst v10;
	v44 =	vadd.f32 v28, v0;
	v0 =	vadd.f32 v4, v1;
	v4 =	vadd.s32 s24, v27  }
0x1cf: {  	[tilespmem:$0x1FC30] =	vst v12;
	v5 =	vunpack.i.l.bf16.f32 v6  }
0x1d0: {  	[tilespmem:$0x1FC40] =	vst v46;
	v2 =	vadd.f32 v5, v2  }
0x1d1: {  	[tilespmem:$0x1FC50] =	vst v53;
	v1 =	vunpack.i.l.bf16.f32 v8  }
0x1d2: {  	v38 =	vadd.f32 v1, v2;
	v2 =	vadd.s32 s24, v53;
	v3 =	vld.idx.msk [tilespmem:v3+s2+$0x0], $0xffff  }
0x1d3: {  	v55 =	vadd.s32 $0x4, v27;
	s23 =	simm.s32 $0x6;
	v5 =	vunpack.i.u.bf16.f32 v8;
	v4 =	vld.idx.msk [tilespmem:v4+s2+$0x0], $0xffff;
	[tilespmem:$0x1FC60] =	vst v47  }
0x1d4: {  	v28 =	vadd.f32 v5, v0;
	v5 =	vadd.s32 s23, v27;
	[tilespmem:$0x1FC70] =	vst v55  }
0x1d5: {  	v1 =	vadd.s32 s23, v10;
	[tilespmem:$0x1FC80] =	vst v43  }
0x1d6: {  	[tilespmem:$0x1FC90] =	vst v56  }
0x1d7: {  	v30 =	vadd.s32 s23, v52;
	v15 =	vadd.s32 s23, v53;
	v2 =	vld.idx.msk [tilespmem:v2+s2+$0x0], $0xffff;
	[tilespmem:$0x1FCA0] =	vst v48  }
0x1d8: {  	v19 =	vadd.s32 s18, v55;
	v23 =	vadd.s32 s24, v48;
	v18 =	vadd.s32 s24, v54;
	[tilespmem:$0x1FCB0] =	vst v54  }
0x1d9: {  	v21 =	vadd.s32 s23, v43;
	v24 =	vadd.s32 s24, v52;
	v22 =	vadd.s32 s23, v54;
	v5 =	vld.idx.msk [tilespmem:v5+s2+$0x0], $0xffff  }
0x1da: {  	v17 =	vadd.s32 s24, v43;
	v20 =	vadd.s32 s18, v56;
	v0 =	vadd.s32 s24, v11;
	v1 =	vld.idx.msk [tilespmem:v1+s2+$0x0], $0xffff;
	[tilespmem:$0x1FCC0] =	vst v49  }
0x1db: {  	v16 =	vadd.s32 s23, v47;
	v13 =	vadd.s32 s24, v47;
	v9 =	vadd.s32 s23, v46;
	[tilespmem:$0x1FCD0] =	vst v51  }
0x1dc: {  	v7 =	vadd.s32 s23, v12;
	v26 =	vadd.s32 s23, v48;
	v6 =	vadd.s32 s24, v12;
	v15 =	vld.idx.msk [tilespmem:v15+s2+$0x0], $0xffff;
	[tilespmem:$0x1FCE0] =	vst v52  }
0x1dd: {  	v8 =	vadd.s32 s24, v46;
	v55 =	vadd.s32 s24, v51;
	v25 =	vunpack.i.l.bf16.f32 v4;
	v18 =	vld.idx.msk [tilespmem:v18+s2+$0x0], $0xffff  }
0x1de: {  	v31 =	vunpack.i.u.bf16.f32 v3;
	v19 =	vld.idx.msk [tilespmem:v19+s2+$0x0], $0xffff;
	v4 =	vunpack.i.u.bf16.f32 v4;
	v25 =	vadd.f32 $0.0e+00, v25  }
0x1df: {  	v33 =	vunpack.i.l.bf16.f32 v3;
	v0 =	vld.idx.msk [tilespmem:v0+s2+$0x0], $0xffff;
	v4 =	vadd.f32 $0.0e+00, v4;
	v3 =	vunpack.i.l.bf16.f32 v2  }
0x1e0: {  	v56 =	vadd.s32 s23, v51;
	v22 =	vld.idx.msk [tilespmem:v22+s2+$0x0], $0xffff;
	v2 =	vunpack.i.u.bf16.f32 v2;
	v3 =	vadd.f32 v3, v25  }
0x1e1: {  	v43 =	vld.idx.msk [tilespmem:v20+s2+$0x0], $0xffff;
	v25 =	vunpack.i.l.bf16.f32 v5;
	v5 =	vunpack.i.u.bf16.f32 v5;
	v2 =	vadd.f32 v2, v4  }
0x1e2: {  	v6 =	vld.idx.msk [tilespmem:v6+s2+$0x0], $0xffff;
	v32 =	vunpack.i.u.bf16.f32 v1;
	v36 =	vunpack.i.l.bf16.f32 v1;
	v25 =	vadd.f32 $0.0e+00, v25  }
0x1e3: {  	v7 =	vld.idx.msk [tilespmem:v7+s2+$0x0], $0xffff;
	v5 =	vadd.f32 $0.0e+00, v5;
	v4 =	vunpack.i.l.bf16.f32 v15;
	v15 =	vunpack.i.u.bf16.f32 v15  }
0x1e4: {  	v8 =	vld.idx.msk [tilespmem:v8+s2+$0x0], $0xffff;
	v20 =	vunpack.i.u.bf16.f32 v18;
	v18 =	vunpack.i.l.bf16.f32 v18;
	v10 =	vunpack.i.u.bf16.f32 v0  }
0x1e5: {  	v1 =	vunpack.i.u.bf16.f32 v22;
	v4 =	vadd.f32 v4, v25;
	v5 =	vadd.f32 v15, v5;
	v25 =	vld.idx.msk [tilespmem:v24+s2+$0x0], $0xffff;
	[tilespmem:$0x1FCF0] =	vst v10  }
0x1e6: {  	v15 =	vunpack.i.l.bf16.f32 v19;
	v3 =	vadd.f32 v18, v3;
	v18 =	vunpack.i.l.bf16.f32 v22;
	v51 =	vld.idx.msk [tilespmem:v30+s2+$0x0], $0xffff  }
0x1e7: {  	v15 =	vadd.f32 $0.0e+00, v15;
	v9 =	vld.idx.msk [tilespmem:v9+s2+$0x0], $0xffff;
	v22 =	vadd.f32 v1, v5;
	v1 =	vunpack.i.u.bf16.f32 v6  }
0x1e8: {  	v2 =	vadd.f32 v20, v2;
	v20 =	vunpack.i.l.bf16.f32 v43;
	v13 =	vld.idx.msk [tilespmem:v13+s2+$0x0], $0xffff;
	v6 =	vunpack.i.l.bf16.f32 v6;
	[tilespmem:$0x1FD00] =	vst v1  }
0x1e9: {  	v0 =	vunpack.i.l.bf16.f32 v0;
	v20 =	vadd.f32 v20, v15;
	v15 =	vunpack.i.u.bf16.f32 v19;
	v5 =	vld.idx.msk [tilespmem:v16+s2+$0x0], $0xffff;
	[tilespmem:$0x1FD10] =	vst v6  }
0x1ea: {  	v39 =	vadd.s32 s24, v49;
	v1 =	vadd.f32 $0.0e+00, v15;
	[tilespmem:$0x1FD20] =	vst v0  }
0x1eb: {  	v54 =	vadd.s32 s23, v49;
	v40 =	vunpack.i.u.bf16.f32 v7;
	v0 =	vunpack.i.u.bf16.f32 v43;
	v6 =	vld.idx.msk [tilespmem:v17+s2+$0x0], $0xffff  }
0x1ec: {  	v42 =	vunpack.i.l.bf16.f32 v7;
	v15 =	vld.idx.msk [tilespmem:v21+s2+$0x0], $0xffff;
	v24 =	vadd.f32 v0, v1;
	v0 =	vunpack.i.u.bf16.f32 v25  }
0x1ed: {  	v4 =	vadd.f32 v18, v4;
	v1 =	vunpack.i.l.bf16.f32 v25;
	v25 =	vadd.f32 v0, v2;
	v0 =	vld.idx.msk [tilespmem:v23+s2+$0x0], $0xffff  }
0x1ee: {  	v7 =	vunpack.i.u.bf16.f32 v9;
	v18 =	vadd.f32 v1, v3;
	v1 =	vunpack.i.l.bf16.f32 v51;
	v2 =	vld.idx.msk [tilespmem:v26+s2+$0x0], $0xffff;
	[tilespmem:$0x1FD30] =	vst v63  }
0x1ef: {  	v3 =	vadd.s32 s18, v63;
	v1 =	vadd.f32 v1, v4;
	v4 =	vld.idx.msk [tilespmem:v39+s2+$0x0], $0xffff;
	[tilespmem:$0x1FD40] =	vst v7  }
0x1f0: {  	s25 =	sand.u32 $0x3800, s18;
	v34 =	vunpack.i.l.bf16.f32 v8;
	v43 =	vunpack.i.u.bf16.f32 v8;
	[tilespmem:$0x1FD50] =	vst v61;
	v7 =	vadd.s32 s18, v61  }
0x1f1: {  	s26 =	simm.s32 $0x4100;
	s9 =	simm.s32 $0x180;
	s28 =	simm.s32 $0x4300;
	v35 =	vunpack.i.l.bf16.f32 v9;
	v9 =	vadd.s32 s18, v60;
	v26 =	vmov s22;
	v8 =	vld.idx.msk [tilespmem:v54+s2+$0x0], $0xffff;
	[tilespmem:$0x1FD60] =	vst v60  }
0x1f2: {  	s11 =	simm.s32 $0x2180;
	s29 =	simm.s32 $0x80;
	s9 =	sand.u32 $0x380, s9;
	v39 =	vunpack.i.u.bf16.f32 v5;
	v49 =	vunpack.i.l.bf16.f32 v5;
	v5 =	vadd.s32 s18, v58;
	v16 =	vld.idx.msk [tilespmem:v55+s2+$0x0], $0xffff;
	[tilespmem:$0x1FD70] =	vst v57  }
0x1f3: {  	s25 =	sor.u32 s20, s25;
	s0 =	sand.u32 $0x7800, s28;
	s21 =	sor.u32 $0xD880, s20;
	v17 =	vadd.s32 s18, v57;
	v47 =	vld.idx.msk [tilespmem:v56+s2+$0x0], $0xffff;
	[tilespmem:$0x1FD80] =	vst v59  }
0x1f4: {  	s11 =	sand.u32 $0x380, s11;
	s0 =	sadd.s32 s0, s21;
	s22 =	sadd.s32 $0xD880, s25;
	v53 =	vunpack.i.u.bf16.f32 v6;
	v57 =	vunpack.i.l.bf16.f32 v6;
	v6 =	vadd.s32 s18, v59;
	v3 =	vld.idx.msk [tilespmem:v3+s2+$0x0], $0xffff;
	[tilespmem:$0x1FD90] =	vst v58  }
0x1f5: {  	s0 =	sadd.s32 s11, s0;
	s11 =	sand.u32 $0x280, s29;
	s9 =	sadd.s32 s9, s22;
	v7 =	vld.idx.msk [tilespmem:v7+s2+$0x0], $0xffff  }
0x1f6: {  	s1 =	sand.u32 $0x7800, s26;
	s26 =	simm.s32 $0x2080;
	s11 =	sadd.s32 s11, s22;
	v9 =	vld.idx.msk [tilespmem:v9+s2+$0x0], $0xffff;
	[tilespmem:v26+s9+$0x0 ss:$0x1] =	vst.idx.msk $0xffff, v14  }
0x1f7: {  	s31 =	simm.s32 $0x100;
	s13 =	sand.u32 $0x280, s26;
	v46 =	vunpack.i.u.bf16.f32 v13;
	v48 =	vunpack.i.l.bf16.f32 v13;
	[tilespmem:v26+s11+$0x0 ss:$0x1] =	vst.idx.msk $0xffff, v50;
	v5 =	vld.idx.msk [tilespmem:v5+s2+$0x0], $0xffff  }
0x1f8: {  	s26 =	simm.s32 $0x2100;
	s1 =	sadd.s32 s1, s21;
	s24 =	simm.s32 $0x4200;
	v52 =	vunpack.i.u.bf16.f32 v15;
	[tilespmem:v26+s0+$0x0 ss:$0x1] =	vst.idx.msk $0xffff, v41;
	v19 =	vunpack.i.u.bf16.f32 v16;
	v21 =	vunpack.i.l.bf16.f32 v16;
	v16 =	vld.idx.msk [tilespmem:v17+s2+$0x0], $0xffff  }
0x1f9: {  	s1 =	sadd.s32 s13, s1;
	s30 =	sand.u32 $0x7800, s24;
	v56 =	vunpack.i.l.bf16.f32 v15;
	v13 =	vunpack.i.u.bf16.f32 v4;
	v15 =	vunpack.i.l.bf16.f32 v4;
	s0 =	sand.u32 $0x300, s31;
	v4 =	vld.idx.msk [tilespmem:v6+s2+$0x0], $0xffff;
	[tilespmem:$0x1FDA0] =	vst v62  }
0x1fa: {  	s29 =	sand.u32 $0x300, s26;
	s28 =	sadd.s32 s30, s21;
	s0 =	sadd.s32 s0, s22;
	[tilespmem:v26+s1+$0x0 ss:$0x1] =	vst.idx.msk $0xffff, v45  }
0x1fb: {  	[tilespmem:v26+s0+$0x0 ss:$0x1] =	vst.idx.msk $0xffff, v44;
	s1 =	sadd.s32 s29, s28  }
0x1fc: {  	v59 =	vunpack.i.u.bf16.f32 v2;
	v61 =	vunpack.i.l.bf16.f32 v2;
	[tilespmem:v26+s1+$0x0 ss:$0x1] =	vst.idx.msk $0xffff, v37  }
0x1fd: {  	v2 =	vunpack.i.u.bf16.f32 v51;
	v50 =	vunpack.i.u.bf16.f32 v3;
	v51 =	vunpack.i.l.bf16.f32 v3;
	v3 =	vld [tilespmem:$0x1FDB0];
	_ =	sdelay $0x3  }
0x1fe: {  	v58 =	vunpack.i.u.bf16.f32 v0;
	v60 =	vunpack.i.l.bf16.f32 v0  }
0x1ff: {  	v23 =	vunpack.i.u.bf16.f32 v47;
	v0 =	vunpack.i.l.bf16.f32 v47;
	v47 =	vadd.s32 s18, v3;
	v3 =	vld [tilespmem:$0x1FDC0];
	_ =	sdelay $0x4  }
0x200: {  	v41 =	vadd.s32 s18, v3;
	v3 =	vld [tilespmem:$0x1FDD0];
	_ =	sdelay $0x1  }
0x201: {  	s30 =	sand.u32 $0x200, s18  }
0x202: {  	s31 =	sadd.s32 s30, s22  }
0x203: {  	[tilespmem:v26+s31+$0x0 ss:$0x1] =	vst.idx.msk $0xffff, v38  }
0x204: {  	v6 =	vadd.s32 s18, v62;
	v37 =	vadd.s32 s18, v3;
	v3 =	vld [tilespmem:$0x1FDE0]  }
0x205: {  	s26 =	simm.s32 $0x7  }
0x206: {  	v14 =	vunpack.i.u.bf16.f32 v8;
	v17 =	vunpack.i.l.bf16.f32 v8;
	v8 =	vadd.s32 s26, v27  }
0x207: {  	s0 =	sadd.s32 s30, s25;
	v45 =	vadd.s32 s23, v11;
	v54 =	vunpack.i.u.bf16.f32 v7;
	v55 =	vunpack.i.l.bf16.f32 v7;
	[tilespmem:$0x1FDF0] =	vst v11  }
0x208: {  	s24 =	simm.s32 $0x4;
	v62 =	vunpack.i.u.bf16.f32 v9;
	v63 =	vunpack.i.l.bf16.f32 v9;
	v9 =	vunpack.i.l.bf16.f32 v5;
	[tilespmem:v26+s0+$0x11880 ss:$0x1] =	vst.idx.msk $0xffff, v28  }
0x209: {  	s22 =	simm.s32 $0x0;
	s25 =	simm.s32 $0x8;
	s23 =	simm.s32 $0x0;
	v7 =	vunpack.i.u.bf16.f32 v4;
	v6 =	vld.idx.msk [tilespmem:v6+s2+$0x0], $0xffff;
	[tilespmem:$0x1FE00] =	vst v27;
	v38 =	vadd.s32 s18, v3;
	v3 =	vunpack.i.u.bf16.f32 v16  }
.LBB2_7:
0x20a: {  	v29 =	vld [tilespmem:$0x1FC50];
	_ =	sdelay $0x1  }
0x20b: {  	v30 =	vld [tilespmem:$0x1FCB0]  }
0x20c: {  	v5 =	vunpack.i.u.bf16.f32 v5;
	v28 =	vld [tilespmem:$0x1FCE0];
	v9 =	vadd.f32 v9, v20  }
0x20d: {  	v4 =	vunpack.i.l.bf16.f32 v4;
	v2 =	vadd.f32 v2, v22;
	v5 =	vadd.f32 v5, v24  }
0x20e: {  	v18 =	vadd.f32 v21, v18;
	v19 =	vadd.f32 v19, v25;
	v20 =	vadd.s32 s26, v29  }
0x20f: {  	v27 =	vld [tilespmem:$0x1FCD0];
	v0 =	vadd.f32 v0, v1;
	v1 =	vadd.f32 v4, v9  }
0x210: {  	v8 =	vld.idx.msk [tilespmem:v8+s2+$0x0], $0xffff;
	v2 =	vadd.f32 v23, v2;
	v5 =	vadd.f32 v7, v5;
	v4 =	vadd.s32 s26, v30  }
0x211: {  	v9 =	vadd.f32 v15, v18;
	v23 =	vld [tilespmem:$0x1FCC0];
	v7 =	vunpack.i.l.bf16.f32 v6;
	v15 =	vadd.s32 s26, v28  }
0x212: {  	v21 =	vld [tilespmem:$0x1FCA0];
	v13 =	vadd.f32 v13, v19;
	v6 =	vunpack.i.u.bf16.f32 v6;
	v1 =	vadd.f32 v7, v1  }
0x213: {  	v2 =	vadd.f32 v14, v2;
	v5 =	vadd.f32 v6, v5;
	v7 =	vld.idx.msk [tilespmem:v20+s2+$0x0], $0xffff  }
0x214: {  	v18 =	vld [tilespmem:$0x1FC80];
	v6 =	vadd.f32 v60, v9;
	v9 =	vadd.s32 s26, v27;
	v14 =	vunpack.i.l.bf16.f32 v16  }
0x215: {  	v1 =	vadd.f32 v14, v1;
	v3 =	vadd.f32 v3, v5;
	v4 =	vld.idx.msk [tilespmem:v4+s2+$0x0], $0xffff  }
0x216: {  	v5 =	vadd.f32 v57, v6;
	v6 =	vunpack.i.l.bf16.f32 v8;
	v14 =	vadd.s32 s26, v23;
	v15 =	vld.idx.msk [tilespmem:v15+s2+$0x0], $0xffff  }
0x217: {  	v0 =	vadd.f32 v17, v0;
	v8 =	vunpack.i.u.bf16.f32 v8;
	v6 =	vadd.f32 $0.0e+00, v6;
	v20 =	vld [tilespmem:$0x1FC60]  }
0x218: {  	v19 =	vld [tilespmem:$0x1FC40];
	v16 =	vadd.s32 s26, v21;
	v8 =	vadd.f32 $0.0e+00, v8;
	v17 =	vunpack.i.l.bf16.f32 v7  }
0x219: {  	v9 =	vld.idx.msk [tilespmem:v9+s2+$0x0], $0xffff;
	v7 =	vunpack.i.u.bf16.f32 v7;
	v6 =	vadd.f32 v17, v6  }
0x21a: {  	v12 =	vld [tilespmem:$0x1FC30];
	v17 =	vadd.s32 s26, v18;
	v7 =	vadd.f32 v7, v8;
	v8 =	vunpack.i.l.bf16.f32 v4  }
0x21b: {  	v14 =	vld.idx.msk [tilespmem:v14+s2+$0x0], $0xffff;
	v4 =	vunpack.i.u.bf16.f32 v4;
	v6 =	vadd.f32 v8, v6  }
0x21c: {  	v11 =	vld [tilespmem:$0x1FDF0];
	v8 =	vadd.s32 s26, v20;
	v4 =	vadd.f32 v4, v7;
	v7 =	vunpack.i.l.bf16.f32 v15  }
0x21d: {  	v16 =	vld.idx.msk [tilespmem:v16+s2+$0x0], $0xffff;
	v15 =	vunpack.i.u.bf16.f32 v15;
	v6 =	vadd.f32 v7, v6  }
0x21e: {  	v10 =	vld [tilespmem:$0x1FC20];
	v7 =	vadd.s32 s26, v19;
	v4 =	vadd.f32 v15, v4;
	v15 =	vunpack.i.l.bf16.f32 v9  }
0x21f: {  	v9 =	vunpack.i.u.bf16.f32 v9;
	v17 =	vld.idx.msk [tilespmem:v17+s2+$0x0], $0xffff;
	v6 =	vadd.f32 v15, v6  }
0x220: {  	v15 =	vadd.s32 s26, v12;
	v4 =	vadd.f32 v9, v4;
	v9 =	vunpack.i.l.bf16.f32 v14  }
0x221: {  	v14 =	vunpack.i.u.bf16.f32 v14;
	v8 =	vld.idx.msk [tilespmem:v8+s2+$0x0], $0xffff;
	v6 =	vadd.f32 v9, v6  }
0x222: {  	v9 =	vadd.s32 s26, v11;
	v4 =	vadd.f32 v14, v4;
	v14 =	vunpack.i.l.bf16.f32 v16  }
0x223: {  	v16 =	vunpack.i.u.bf16.f32 v16;
	v7 =	vld.idx.msk [tilespmem:v7+s2+$0x0], $0xffff;
	v6 =	vadd.f32 v14, v6  }
0x224: {  	v14 =	vadd.s32 s26, v10;
	v4 =	vadd.f32 v16, v4;
	v16 =	vunpack.i.l.bf16.f32 v17  }
0x225: {  	v17 =	vunpack.i.u.bf16.f32 v17;
	v15 =	vld.idx.msk [tilespmem:v15+s2+$0x0], $0xffff;
	v6 =	vadd.f32 v16, v6  }
0x226: {  	v4 =	vadd.f32 v17, v4;
	v16 =	vunpack.i.l.bf16.f32 v8  }
0x227: {  	v8 =	vunpack.i.u.bf16.f32 v8;
	v9 =	vld.idx.msk [tilespmem:v9+s2+$0x0], $0xffff;
	v6 =	vadd.f32 v16, v6  }
0x228: {  	v4 =	vadd.f32 v8, v4;
	v8 =	vunpack.i.l.bf16.f32 v7  }
0x229: {  	v7 =	vunpack.i.u.bf16.f32 v7;
	v14 =	vld.idx.msk [tilespmem:v14+s2+$0x0], $0xffff;
	v6 =	vadd.f32 v8, v6  }
0x22a: {  	v4 =	vadd.f32 v7, v4;
	v7 =	vunpack.i.l.bf16.f32 v15  }
0x22b: {  	v15 =	vunpack.i.u.bf16.f32 v15;
	v6 =	vadd.f32 v7, v6  }
0x22c: {  	s22 =	sadd.s32 $0x200, s22;
	s23 =	sadd.s32 $0x400, s23;
	v4 =	vadd.f32 v15, v4;
	v15 =	vunpack.i.l.bf16.f32 v9  }
0x22d: {  	s0 =	sand.u32 $0x3800, s23;
	s9 =	sadd.s32 $0x180, s22;
	v9 =	vunpack.i.u.bf16.f32 v9;
	v6 =	vadd.f32 v15, v6  }
0x22e: {  	s31 =	sadd.s32 $0x4300, s23;
	s11 =	sadd.s32 $0x2180, s22;
	v2 =	vadd.f32 v59, v2;
	s26 =	sor.u32 s20, s0;
	v4 =	vadd.f32 v9, v4;
	v9 =	vunpack.i.l.bf16.f32 v14  }
0x22f: {  	s9 =	sand.u32 $0x380, s9;
	v0 =	vadd.f32 v61, v0;
	s0 =	sand.u32 $0x7800, s31;
	s28 =	sadd.s32 $0xD880, s26;
	v7 =	vld [tilespmem:$0x1FD40];
	v14 =	vunpack.i.u.bf16.f32 v14;
	v6 =	vadd.f32 v9, v6  }
0x230: {  	s11 =	sand.u32 $0x380, s11;
	v2 =	vadd.f32 v52, v2;
	s0 =	sadd.s32 s0, s21;
	v17 =	vld [tilespmem:$0x1FD10];
	s9 =	sadd.s32 s9, s28;
	v4 =	vadd.f32 v14, v4  }
0x231: {  	v13 =	vadd.f32 v58, v13;
	v5 =	vadd.f32 v48, v5;
	s0 =	sadd.s32 s11, s0;
	[tilespmem:v26+s9+$0x0 ss:$0x1] =	vst.idx.msk $0xffff, v6  }
0x232: {  	v0 =	vadd.f32 v56, v0;
	v2 =	vadd.f32 v39, v2;
	[tilespmem:v26+s0+$0x0 ss:$0x1] =	vst.idx.msk $0xffff, v4;
	v4 =	vld [tilespmem:$0x1FD20]  }
0x233: {  	v13 =	vadd.f32 v53, v13;
	v5 =	vadd.f32 v34, v5  }
0x234: {  	v0 =	vadd.f32 v49, v0;
	v2 =	vadd.f32 v7, v2;
	v7 =	vld.idx.msk [tilespmem:v45+s2+$0x0], $0xffff  }
0x235: {  	v22 =	vld [tilespmem:$0x1FD00];
	v5 =	vadd.f32 v17, v5  }
0x236: {  	v13 =	vadd.f32 v46, v13;
	v0 =	vadd.f32 v35, v0  }
0x237: {  	v4 =	vadd.f32 v4, v5;
	v5 =	vld [tilespmem:$0x1FCF0]  }
0x238: {  	s1 =	sadd.s32 $0x4100, s23;
	s29 =	sadd.s32 $0x4200, s23;
	v13 =	vadd.f32 v43, v13;
	v0 =	vadd.f32 v42, v0  }
0x239: {  	s13 =	sadd.s32 $0x100, s22;
	s30 =	sadd.s32 $0x2100, s22;
	s29 =	sand.u32 $0x7800, s29;
	v6 =	vunpack.i.u.bf16.f32 v7;
	v7 =	vunpack.i.l.bf16.f32 v7  }
0x23a: {  	s1 =	sand.u32 $0x7800, s1;
	s30 =	sand.u32 $0x300, s30;
	s29 =	sadd.s32 s29, s21;
	v13 =	vadd.f32 v22, v13;
	v8 =	vld.idx.msk [tilespmem:v47+s2+$0x0], $0xffff;
	v0 =	vadd.f32 v7, v0  }
0x23b: {  	s29 =	sadd.s32 s30, s29;
	v3 =	vadd.f32 v62, v3;
	s31 =	sadd.s32 $0x2080, s22;
	s11 =	sadd.s32 $0x80, s22  }
0x23c: {  	s9 =	sand.u32 $0x280, s11;
	s0 =	sadd.s32 s1, s21;
	s1 =	sand.u32 $0x300, s13;
	v0 =	vadd.f32 v36, v0;
	v5 =	vadd.f32 v5, v13  }
0x23d: {  	v3 =	vadd.f32 v54, v3;
	v15 =	vld.idx.msk [tilespmem:v41+s2+$0x0], $0xffff;
	s11 =	sand.u32 $0x280, s31;
	s31 =	sand.u32 $0x200, s22;
	s1 =	sadd.s32 s1, s28;
	v4 =	vadd.f32 v33, v4  }
0x23e: {  	s30 =	sadd.s32 $0x1, s25;
	s13 =	sadd.s32 s31, s28;
	s9 =	sadd.s32 s9, s28;
	[tilespmem:v26+s1+$0x0 ss:$0x1] =	vst.idx.msk $0xffff, v0;
	v5 =	vadd.f32 v31, v5  }
0x23f: {  	v3 =	vadd.f32 v50, v3;
	v17 =	vld.idx.msk [tilespmem:v37+s2+$0x0], $0xffff;
	v9 =	vunpack.i.u.bf16.f32 v8;
	s26 =	sadd.s32 s31, s26;
	s31 =	sadd.s32 $0x2, s25;
	s0 =	sadd.s32 s11, s0;
	[tilespmem:v26+s9+$0x0 ss:$0x1] =	vst.idx.msk $0xffff, v4  }
0x240: {  	v2 =	vadd.f32 v40, v2;
	v0 =	vadd.s32 s31, v10;
	[tilespmem:v26+s0+$0x0 ss:$0x1] =	vst.idx.msk $0xffff, v5;
	v5 =	vadd.s32 s30, v10;
	v10 =	vld [tilespmem:$0x1FD90]  }
0x241: {  	v3 =	vadd.f32 v9, v3  }
0x242: {  	v2 =	vadd.f32 v6, v2;
	v6 =	vunpack.i.u.bf16.f32 v15  }
0x243: {  	v3 =	vadd.f32 v6, v3  }
0x244: {  	v9 =	vadd.s32 s31, v20;
	v7 =	vunpack.i.u.bf16.f32 v17  }
0x245: {  	v3 =	vadd.f32 v7, v3;
	v7 =	vadd.s32 s30, v20;
	v20 =	vadd.s32 s24, v10;
	v10 =	vld [tilespmem:$0x1FD80];
	_ =	sdelay $0x4  }
0x246: {  	v22 =	vadd.s32 s24, v10;
	v10 =	vld [tilespmem:$0x1FDA0];
	_ =	sdelay $0x4  }
0x247: {  	v14 =	vadd.s32 s31, v18;
	v13 =	vadd.s32 s30, v18;
	v18 =	vadd.s32 s24, v10;
	v10 =	vld [tilespmem:$0x1FD70];
	_ =	sdelay $0x1  }
0x248: {  	v1 =	vadd.f32 v63, v1;
	_ =	sdelay $0x1  }
0x249: {  	v1 =	vadd.f32 v55, v1  }
0x24a: {  	v24 =	vadd.s32 s24, v10;
	v10 =	vld [tilespmem:$0x1FD60]  }
0x24b: {  	v1 =	vadd.f32 v51, v1  }
0x24c: {  	v8 =	vunpack.i.l.bf16.f32 v8  }
0x24d: {  	v16 =	vld.idx.msk [tilespmem:v38+s2+$0x0], $0xffff;
	v1 =	vadd.f32 v8, v1  }
0x24e: {  	v6 =	vunpack.i.l.bf16.f32 v17;
	v17 =	vadd.s32 s31, v21;
	v2 =	vadd.f32 v32, v2  }
0x24f: {  	v8 =	vunpack.i.l.bf16.f32 v15;
	v25 =	vadd.s32 s24, v10;
	v10 =	vld [tilespmem:$0x1FD50]  }
0x250: {  	v1 =	vadd.f32 v8, v1;
	v15 =	vadd.s32 s30, v21;
	v21 =	vadd.s32 s31, v23;
	[tilespmem:v26+s29+$0x0 ss:$0x1] =	vst.idx.msk $0xffff, v2  }
0x251: {  	v9 =	vld.idx.msk [tilespmem:v9+s2+$0x0], $0xffff  }
0x252: {  	v1 =	vadd.f32 v6, v1;
	v6 =	vunpack.i.u.bf16.f32 v16;
	v14 =	vld.idx.msk [tilespmem:v14+s2+$0x0], $0xffff  }
0x253: {  	v3 =	vadd.f32 v6, v3;
	v6 =	vadd.s32 s31, v19;
	v17 =	vld.idx.msk [tilespmem:v17+s2+$0x0], $0xffff  }
0x254: {  	v50 =	vadd.s32 s24, v10;
	v10 =	vld [tilespmem:$0x1FD30]  }
0x255: {  	v4 =	vunpack.i.l.bf16.f32 v16;
	v2 =	vadd.s32 s30, v11;
	v62 =	vld.idx.msk [tilespmem:v21+s2+$0x0], $0xffff  }
0x256: {  	v1 =	vadd.f32 v4, v1;
	v4 =	vadd.s32 s30, v19;
	v31 =	vld [tilespmem:$0x1FE00]  }
0x257: {  	v0 =	vld.idx.msk [tilespmem:v0+s2+$0x0], $0xffff  }
0x258: {  	v6 =	vld.idx.msk [tilespmem:v6+s2+$0x0], $0xffff  }
0x259: {  	v51 =	vadd.s32 s24, v10;
	v10 =	vld [tilespmem:$0x1FDB0]  }
0x25a: {  	v2 =	vld.idx.msk [tilespmem:v2+s2+$0x0], $0xffff  }
0x25b: {  	v4 =	vld.idx.msk [tilespmem:v4+s2+$0x0], $0xffff  }
0x25c: {  	[tilespmem:v26+s13+$0x0 ss:$0x1] =	vst.idx.msk $0xffff, v1;
	v1 =	vadd.s32 s30, v12;
	v7 =	vld.idx.msk [tilespmem:v7+s2+$0x0], $0xffff  }
0x25d: {  	v13 =	vld.idx.msk [tilespmem:v13+s2+$0x0], $0xffff  }
0x25e: {  	v47 =	vadd.s32 s24, v10;
	v10 =	vld [tilespmem:$0x1FDC0]  }
0x25f: {  	[tilespmem:v26+s26+$0x11880 ss:$0x1] =	vst.idx.msk $0xffff, v3;
	v3 =	vadd.s32 s31, v12;
	v15 =	vld.idx.msk [tilespmem:v15+s2+$0x0], $0xffff  }
0x260: {  	v58 =	vadd.s32 s30, v30;
	v19 =	vadd.s32 s30, v23;
	v5 =	vld.idx.msk [tilespmem:v5+s2+$0x0], $0xffff  }
0x261: {  	v52 =	vadd.s32 s30, v29;
	v43 =	vadd.s32 s30, v28;
	v57 =	vadd.s32 s31, v27;
	v8 =	vld.idx.msk [tilespmem:v1+s2+$0x0], $0xffff  }
0x262: {  	v45 =	vadd.s32 s31, v11;
	v49 =	vadd.s32 s31, v30;
	v59 =	vadd.s32 s31, v28;
	v1 =	vld [tilespmem:$0x1FC70]  }
0x263: {  	v55 =	vadd.s32 s31, v29;
	v23 =	vadd.s32 s30, v27;
	v44 =	vadd.s32 s24, v10;
	v10 =	vld [tilespmem:$0x1FDD0]  }
0x264: {  	v39 =	vunpack.i.u.bf16.f32 v9;
	v56 =	vunpack.i.l.bf16.f32 v14;
	v61 =	vunpack.i.l.bf16.f32 v17;
	v3 =	vld.idx.msk [tilespmem:v3+s2+$0x0], $0xffff  }
0x265: {  	v19 =	vld.idx.msk [tilespmem:v19+s2+$0x0], $0xffff;
	v37 =	vunpack.i.u.bf16.f32 v5;
	v33 =	vunpack.i.l.bf16.f32 v5;
	v5 =	vadd.s32 s31, v31  }
0x266: {  	v54 =	vadd.s32 s30, v31;
	v46 =	vunpack.i.u.bf16.f32 v7;
	v48 =	vunpack.i.l.bf16.f32 v7;
	v7 =	vld.idx.msk [tilespmem:v52+s2+$0x0], $0xffff  }
0x267: {  	v32 =	vunpack.i.u.bf16.f32 v0;
	v36 =	vunpack.i.l.bf16.f32 v0;
	v16 =	vadd.s32 s24, v1;
	v1 =	vld [tilespmem:$0x1FC90]  }
0x268: {  	v35 =	vunpack.i.l.bf16.f32 v6;
	v0 =	vunpack.i.u.bf16.f32 v8;
	v41 =	vadd.s32 s24, v10;
	v10 =	vld [tilespmem:$0x1FDE0]  }
0x269: {  	[tilespmem:$0x1FD00] =	vst v0;
	v0 =	vunpack.i.l.bf16.f32 v8;
	v40 =	vunpack.i.u.bf16.f32 v3;
	v42 =	vunpack.i.l.bf16.f32 v3;
	v3 =	vld.idx.msk [tilespmem:v59+s2+$0x0], $0xffff  }
0x26a: {  	v34 =	vunpack.i.l.bf16.f32 v4;
	v53 =	vunpack.i.u.bf16.f32 v13;
	[tilespmem:$0x1FD10] =	vst v0;
	v0 =	vunpack.i.l.bf16.f32 v2;
	v5 =	vld.idx.msk [tilespmem:v5+s2+$0x0], $0xffff  }
0x26b: {  	v52 =	vunpack.i.u.bf16.f32 v14;
	v60 =	vunpack.i.l.bf16.f32 v15;
	v14 =	vunpack.i.u.bf16.f32 v62;
	[tilespmem:$0x1FD20] =	vst v0;
	v0 =	vld.idx.msk [tilespmem:v57+s2+$0x0], $0xffff  }
0x26c: {  	v21 =	vld.idx.msk [tilespmem:v23+s2+$0x0], $0xffff;
	v59 =	vunpack.i.u.bf16.f32 v17;
	v17 =	vunpack.i.l.bf16.f32 v62;
	v57 =	vunpack.i.l.bf16.f32 v13  }
0x26d: {  	v13 =	vunpack.i.u.bf16.f32 v19;
	v38 =	vadd.s32 s24, v10;
	v10 =	vunpack.i.u.bf16.f32 v2;
	v2 =	vld.idx.msk [tilespmem:v43+s2+$0x0], $0xffff  }
0x26e: {  	v1 =	vadd.s32 s24, v1;
	v43 =	vunpack.i.u.bf16.f32 v4;
	v4 =	vunpack.i.u.bf16.f32 v6;
	v6 =	vld.idx.msk [tilespmem:v49+s2+$0x0], $0xffff  }
0x26f: {  	v12 =	vunpack.i.l.bf16.f32 v3;
	v62 =	vunpack.i.u.bf16.f32 v5;
	v5 =	vunpack.i.l.bf16.f32 v5;
	[tilespmem:$0x1FD40] =	vst v4;
	v4 =	vld.idx.msk [tilespmem:v58+s2+$0x0], $0xffff  }
0x270: {  	v8 =	vld.idx.msk [tilespmem:v54+s2+$0x0], $0xffff;
	v23 =	vunpack.i.u.bf16.f32 v0;
	v0 =	vunpack.i.l.bf16.f32 v0;
	v5 =	vadd.f32 $0.0e+00, v5  }
0x271: {  	v25 =	vld.idx.msk [tilespmem:v25+s2+$0x0], $0xffff;
	v49 =	vunpack.i.l.bf16.f32 v9;
	v58 =	vunpack.i.u.bf16.f32 v15;
	v15 =	vunpack.i.l.bf16.f32 v19  }
0x272: {  	v9 =	vld.idx.msk [tilespmem:v55+s2+$0x0], $0xffff;
	[tilespmem:$0x1FCF0] =	vst v10;
	v19 =	vunpack.i.u.bf16.f32 v21;
	v21 =	vunpack.i.l.bf16.f32 v21;
	v10 =	vunpack.i.u.bf16.f32 v2  }
0x273: {  	v51 =	vld.idx.msk [tilespmem:v51+s2+$0x0], $0xffff;
	v11 =	vunpack.i.l.bf16.f32 v2;
	v2 =	vunpack.i.u.bf16.f32 v3;
	v29 =	vunpack.i.u.bf16.f32 v6  }
0x274: {  	v3 =	vld.idx.msk [tilespmem:v50+s2+$0x0], $0xffff;
	v50 =	vunpack.i.u.bf16.f32 v7;
	v7 =	vunpack.i.l.bf16.f32 v7;
	v27 =	vunpack.i.u.bf16.f32 v4  }
0x275: {  	v30 =	vld.idx.msk [tilespmem:v16+s2+$0x0], $0xffff;
	v28 =	vunpack.i.l.bf16.f32 v4;
	v4 =	vunpack.i.u.bf16.f32 v8;
	v8 =	vunpack.i.l.bf16.f32 v8  }
0x276: {  	v16 =	vld.idx.msk [tilespmem:v24+s2+$0x0], $0xffff;
	v6 =	vunpack.i.l.bf16.f32 v6;
	v8 =	vadd.f32 $0.0e+00, v8;
	v24 =	vadd.f32 $0.0e+00, v4  }
0x277: {  	v63 =	vunpack.i.u.bf16.f32 v9;
	v4 =	vld.idx.msk [tilespmem:v22+s2+$0x0], $0xffff;
	v22 =	vadd.f32 $0.0e+00, v62;
	v62 =	vunpack.i.u.bf16.f32 v25  }
0x278: {  	v1 =	vld.idx.msk [tilespmem:v1+s2+$0x0], $0xffff;
	v8 =	vadd.f32 v7, v8;
	v24 =	vadd.f32 v50, v24;
	v7 =	vunpack.i.l.bf16.f32 v9  }
0x279: {  	v50 =	vunpack.i.u.bf16.f32 v51;
	v22 =	vadd.f32 v63, v22;
	v51 =	vunpack.i.l.bf16.f32 v51  }
0x27a: {  	v63 =	vunpack.i.l.bf16.f32 v25;
	v9 =	vadd.f32 v7, v5;
	v54 =	vunpack.i.u.bf16.f32 v3  }
0x27b: {  	v55 =	vunpack.i.l.bf16.f32 v3;
	v3 =	vunpack.i.l.bf16.f32 v30;
	v7 =	vunpack.i.u.bf16.f32 v30  }
0x27c: {  	p0 =	slt.u32 s25, $0x3C;
	v5 =	vld.idx.msk [tilespmem:v20+s2+$0x0], $0xffff;
	v20 =	vadd.f32 $0.0e+00, v3;
	v3 =	vunpack.i.u.bf16.f32 v16;
	v25 =	vadd.f32 $0.0e+00, v7  }
.Ltmp2:
0x27d: {  	v8 =	vadd.f32 v28, v8;
	v28 =	vunpack.i.l.bf16.f32 v1;
	v27 =	vadd.f32 v27, v24;
	(pc) =	sbr.rel @p0 .LBB2_7-.Ltmp2, $4  }
0x27e: {  	v1 =	vunpack.i.u.bf16.f32 v1;
	v22 =	vadd.f32 v29, v22;
	v30 =	vadd.f32 v6, v9  }
0x27f: {  	s26 =	sadd.s32 $0x3, s25;
	v7 =	vunpack.i.u.bf16.f32 v4;
	v20 =	vadd.f32 v28, v20;
	v24 =	vadd.f32 v1, v25  }
0x280: {  	v6 =	vld.idx.msk [tilespmem:v18+s2+$0x0], $0xffff;
	v18 =	vadd.f32 v11, v8;
	v25 =	vadd.f32 v10, v27;
	v8 =	vadd.s32 s26, v31  }
0x281: {  	s24 =	smov.u32 s25;
	s25 =	sadd.s32 $0x4, s25;
	v31 =	vmovc v37;
	v37 =	vmovc v41;
	v41 =	vmov v44;
	v1 =	vadd.f32 v12, v30;
	v9 =	vunpack.i.l.bf16.f32 v5  }
0x282: {  	v9 =	vadd.f32 v9, v20;
	v2 =	vadd.f32 v2, v22  }
0x283: {  	v5 =	vunpack.i.u.bf16.f32 v5;
	v10 =	vadd.f32 v21, v18;
	v11 =	vadd.f32 v19, v25  }
0x284: {  	v22 =	vunpack.i.l.bf16.f32 v4;
	v5 =	vadd.f32 v5, v24;
	v0 =	vadd.f32 v0, v1  }
0x285: {  	v25 =	vld [tilespmem:$0x1FCB0];
	v1 =	vadd.f32 v22, v9;
	v2 =	vadd.f32 v23, v2  }
0x286: {  	v23 =	vld [tilespmem:$0x1FC50];
	v24 =	vadd.f32 v15, v10;
	v27 =	vadd.f32 v13, v11  }
0x287: {  	v8 =	vld.idx.msk [tilespmem:v8+s2+$0x0], $0xffff;
	v5 =	vadd.f32 v7, v5;
	v28 =	vunpack.i.l.bf16.f32 v6;
	v0 =	vadd.f32 v17, v0  }
0x288: {  	v30 =	vld [tilespmem:$0x1FCE0];
	v12 =	vunpack.i.l.bf16.f32 v16;
	v1 =	vadd.f32 v28, v1;
	v2 =	vadd.f32 v14, v2  }
0x289: {  	v44 =	vld [tilespmem:$0x1FCD0];
	v29 =	vunpack.i.u.bf16.f32 v6;
	v7 =	vadd.f32 v60, v24;
	v10 =	vadd.f32 v58, v27  }
0x28a: {  	v19 =	vld [tilespmem:$0x1FC40];
	v9 =	vadd.s32 s26, v25;
	v5 =	vadd.f32 v29, v5;
	v0 =	vadd.f32 v61, v0  }
0x28b: {  	v21 =	vld [tilespmem:$0x1FC30];
	v1 =	vadd.f32 v12, v1;
	v2 =	vadd.f32 v59, v2;
	v4 =	vadd.s32 s26, v23  }
0x28c: {  	v15 =	vld [tilespmem:$0x1FC80];
	v59 =	vunpack.i.l.bf16.f32 v8;
	v7 =	vadd.f32 v57, v7;
	v10 =	vadd.f32 v53, v10  }
0x28d: {  	v58 =	vld [tilespmem:$0x1FCC0];
	v8 =	vunpack.i.u.bf16.f32 v8;
	v3 =	vadd.f32 v3, v5;
	v5 =	vadd.f32 $0.0e+00, v59  }
0x28e: {  	v60 =	vld [tilespmem:$0x1FCA0];
	v8 =	vadd.f32 $0.0e+00, v8;
	v0 =	vadd.f32 v56, v0  }
0x28f: {  	v6 =	vadd.s32 s26, v30;
	v53 =	vld.idx.msk [tilespmem:v38+s2+$0x0], $0xffff;
	v2 =	vadd.f32 v52, v2;
	v1 =	vadd.f32 v63, v1  }
0x290: {  	v7 =	vadd.f32 v48, v7;
	v10 =	vadd.f32 v46, v10;
	v4 =	vld.idx.msk [tilespmem:v4+s2+$0x0], $0xffff  }
0x291: {  	v11 =	vadd.s32 s26, v44;
	v46 =	vld [tilespmem:$0x1FD10];
	v3 =	vadd.f32 v62, v3;
	v0 =	vadd.f32 v49, v0  }
0x292: {  	v12 =	vadd.s32 s26, v58;
	v9 =	vld.idx.msk [tilespmem:v9+s2+$0x0], $0xffff;
	v2 =	vadd.f32 v39, v2;
	v1 =	vadd.f32 v55, v1  }
0x293: {  	v17 =	vld [tilespmem:$0x1FC60];
	v13 =	vadd.s32 s26, v60;
	v7 =	vadd.f32 v34, v7;
	v3 =	vadd.f32 v54, v3  }
0x294: {  	v6 =	vld.idx.msk [tilespmem:v6+s2+$0x0], $0xffff;
	v30 =	vadd.f32 v43, v10;
	v0 =	vadd.f32 v35, v0;
	v62 =	vunpack.i.l.bf16.f32 v53  }
0x295: {  	v49 =	vld.idx.msk [tilespmem:v41+s2+$0x0], $0xffff;
	v1 =	vadd.f32 v51, v1;
	v3 =	vadd.f32 v50, v3;
	v61 =	vunpack.i.l.bf16.f32 v4  }
0x296: {  	v11 =	vld.idx.msk [tilespmem:v11+s2+$0x0], $0xffff;
	v7 =	vadd.f32 v46, v7;
	v4 =	vunpack.i.u.bf16.f32 v4;
	v5 =	vadd.f32 v61, v5  }
0x297: {  	v23 =	vld [tilespmem:$0x1FDF0];
	v14 =	vunpack.i.l.bf16.f32 v9;
	v4 =	vadd.f32 v4, v8;
	v8 =	vadd.s32 s26, v15  }
0x298: {  	v0 =	vadd.f32 v42, v0;
	v12 =	vld.idx.msk [tilespmem:v12+s2+$0x0], $0xffff;
	v9 =	vunpack.i.u.bf16.f32 v9;
	v5 =	vadd.f32 v14, v5  }
0x299: {  	v43 =	vld.idx.msk [tilespmem:v47+s2+$0x0], $0xffff;
	v16 =	vunpack.i.l.bf16.f32 v6;
	v4 =	vadd.f32 v9, v4;
	v9 =	vadd.s32 s26, v17  }
0x29a: {  	v13 =	vld.idx.msk [tilespmem:v13+s2+$0x0], $0xffff;
	v56 =	vunpack.i.l.bf16.f32 v49;
	v6 =	vunpack.i.u.bf16.f32 v6;
	v5 =	vadd.f32 v16, v5  }
0x29b: {  	v24 =	vld [tilespmem:$0x1FC20];
	v18 =	vunpack.i.l.bf16.f32 v11;
	v4 =	vadd.f32 v6, v4;
	v6 =	vadd.s32 s26, v19  }
0x29c: {  	v58 =	vunpack.i.u.bf16.f32 v49;
	v11 =	vunpack.i.u.bf16.f32 v11;
	v8 =	vld.idx.msk [tilespmem:v8+s2+$0x0], $0xffff;
	v5 =	vadd.f32 v18, v5  }
0x29d: {  	v39 =	vld [tilespmem:$0x1FD40];
	v20 =	vunpack.i.l.bf16.f32 v12;
	v4 =	vadd.f32 v11, v4;
	v11 =	vadd.s32 s26, v21  }
0x29e: {  	v50 =	vunpack.i.l.bf16.f32 v43;
	v12 =	vunpack.i.u.bf16.f32 v12;
	v9 =	vld.idx.msk [tilespmem:v9+s2+$0x0], $0xffff;
	v5 =	vadd.f32 v20, v5  }
0x29f: {  	v51 =	vld.idx.msk [tilespmem:v37+s2+$0x0], $0xffff;
	v22 =	vunpack.i.l.bf16.f32 v13;
	v4 =	vadd.f32 v12, v4;
	v12 =	vadd.s32 s26, v23  }
0x2a0: {  	v1 =	vadd.f32 v50, v1;
	v13 =	vunpack.i.u.bf16.f32 v13;
	v6 =	vld.idx.msk [tilespmem:v6+s2+$0x0], $0xffff;
	v5 =	vadd.f32 v22, v5  }
0x2a1: {  	v4 =	vadd.f32 v13, v4;
	v13 =	vadd.s32 s26, v24;
	v25 =	vunpack.i.l.bf16.f32 v8  }
0x2a2: {  	v2 =	vadd.f32 v39, v2;
	v8 =	vunpack.i.u.bf16.f32 v8;
	v11 =	vld.idx.msk [tilespmem:v11+s2+$0x0], $0xffff;
	v5 =	vadd.f32 v25, v5  }
0x2a3: {  	v48 =	vld [tilespmem:$0x1FD00];
	v1 =	vadd.f32 v56, v1;
	v4 =	vadd.f32 v8, v4;
	v27 =	vunpack.i.l.bf16.f32 v9  }
0x2a4: {  	v60 =	vunpack.i.l.bf16.f32 v51;
	v9 =	vunpack.i.u.bf16.f32 v9;
	v28 =	vld.idx.msk [tilespmem:v12+s2+$0x0], $0xffff;
	v5 =	vadd.f32 v27, v5  }
0x2a5: {  	v52 =	vld [tilespmem:$0x1FD20];
	v1 =	vadd.f32 v60, v1;
	v4 =	vadd.f32 v9, v4;
	v29 =	vunpack.i.l.bf16.f32 v6  }
0x2a6: {  	s0 =	sadd.s32 $0x400, s23;
	s22 =	sadd.s32 $0x200, s22;
	s19 =	sadd.s32 $0x1, s19;
	v2 =	vadd.f32 v40, v2;
	v6 =	vunpack.i.u.bf16.f32 v6;
	v34 =	vld.idx.msk [tilespmem:v13+s2+$0x0], $0xffff;
	v5 =	vadd.f32 v29, v5  }
0x2a7: {  	s1 =	sand.u32 $0x3800, s0;
	s9 =	sadd.s32 $0x4100, s0;
	s11 =	sadd.s32 $0x180, s22;
	v54 =	vld [tilespmem:$0x1FCF0];
	v1 =	vadd.f32 v62, v1;
	v4 =	vadd.f32 v6, v4;
	v35 =	vunpack.i.l.bf16.f32 v11  }
0x2a8: {  	v45 =	vld.idx.msk [tilespmem:v45+s2+$0x0], $0xffff;
	s29 =	sadd.s32 $0x4300, s0;
	s13 =	sadd.s32 $0x2180, s22;
	s0 =	sadd.s32 $0x4200, s0;
	v9 =	vadd.f32 v48, v30;
	v11 =	vunpack.i.u.bf16.f32 v11;
	v5 =	vadd.f32 v35, v5  }
0x2a9: {  	s30 =	sadd.s32 $0x80, s22;
	s24 =	sadd.s32 $0x2080, s22;
	p0 =	sne.s32 s19, $0x10;
	v6 =	vunpack.i.u.bf16.f32 v43;
	v4 =	vadd.f32 v11, v4;
	v44 =	vunpack.i.l.bf16.f32 v28  }
0x2aa: {  	s20 =	sor.u32 s20, s1;
	s11 =	sand.u32 $0x380, s11;
	s1 =	sand.u32 $0x7800, s29;
	v3 =	vadd.f32 v6, v3;
	v8 =	vunpack.i.u.bf16.f32 v28;
	v5 =	vadd.f32 v44, v5  }
0x2ab: {  	s13 =	sand.u32 $0x380, s13;
	s29 =	sand.u32 $0x200, s22;
	s23 =	sadd.s32 $0xD880, s20;
	v6 =	vadd.f32 v52, v7;
	v4 =	vadd.f32 v8, v4;
	v47 =	vunpack.i.l.bf16.f32 v34  }
0x2ac: {  	s9 =	sand.u32 $0x7800, s9;
	s31 =	sand.u32 $0x280, s30;
	s30 =	sadd.s32 s29, s23;
	v9 =	vadd.f32 v54, v9;
	v10 =	vunpack.i.u.bf16.f32 v34;
	v5 =	vadd.f32 v47, v5  }
0x2ad: {  	s0 =	sand.u32 $0x7800, s0;
	s1 =	sadd.s32 s1, s21;
	s11 =	sadd.s32 s11, s23;
	[tilespmem:v26+s30+$0x0 ss:$0x1] =	vst.idx.msk $0xffff, v1;
	v57 =	vadd.f32 v33, v6;
	v8 =	vunpack.i.l.bf16.f32 v45;
	v4 =	vadd.f32 v10, v4  }
0x2ae: {  	s25 =	sand.u32 $0x280, s24;
	s9 =	sadd.s32 s9, s21;
	s1 =	sadd.s32 s13, s1;
	v55 =	vunpack.i.u.bf16.f32 v45;
	v3 =	vadd.f32 v58, v3;
	v0 =	vadd.f32 v8, v0;
	[tilespmem:v26+s11+$0x0 ss:$0x1] =	vst.idx.msk $0xffff, v5  }
0x2af: {  	s13 =	sadd.s32 $0x100, s22;
	s9 =	sadd.s32 s25, s9;
	v61 =	vunpack.i.u.bf16.f32 v51;
	v2 =	vadd.f32 v55, v2;
	v59 =	vadd.f32 v31, v9;
	s11 =	sadd.s32 s31, s23;
	[tilespmem:v26+s1+$0x0 ss:$0x1] =	vst.idx.msk $0xffff, v4  }
.Ltmp3:
0x2b0: {  	s26 =	sadd.s32 $0x2100, s22;
	v3 =	vadd.f32 v61, v3;
	v0 =	vadd.f32 v36, v0;
	[tilespmem:v26+s11+$0x0 ss:$0x1] =	vst.idx.msk $0xffff, v57;
	s1 =	sand.u32 $0x300, s13;
	(pc) =	sbr.rel @p0 .LBB2_6-.Ltmp3, $4  }
0x2b1: {  	s0 =	sadd.s32 s0, s21;
	v63 =	vunpack.i.u.bf16.f32 v53;
	v2 =	vadd.f32 v32, v2;
	s28 =	sand.u32 $0x300, s26;
	[tilespmem:v26+s9+$0x0 ss:$0x1] =	vst.idx.msk $0xffff, v59;
	s1 =	sadd.s32 s1, s23  }
0x2b2: {  	s0 =	sadd.s32 s28, s0;
	[tilespmem:v26+s1+$0x0 ss:$0x1] =	vst.idx.msk $0xffff, v0;
	v0 =	vadd.f32 v63, v3  }
0x2b3: {  	s31 =	sadd.s32 s29, s20;
	[tilespmem:v26+s0+$0x0 ss:$0x1] =	vst.idx.msk $0xffff, v2  }
0x2b4: {  	[tilespmem:v26+s31+$0x11880 ss:$0x1] =	vst.idx.msk $0xffff, v0  }
0x2b5: {  	[hbm4b:s6+s12] =	stream.strided.scatter [tilespmem:s14], [sflag:$0x2], $0x8000, s10, s12, $0x38;
	[tilespmem:$0x15880] =	vst v63  }
0x2b6: {  	s17 =	sadd.s32 $0x1, s17  }
0x2b7: {  	_ =	swait.ge [sflag:s15], $0x8000;
	p0 =	sne.s32 s17, s7  }
.Ltmp4:
0x2b8: {  	[sflag:s15] =	ssyncset.done $0x0;
	(pc) =	sbr.rel @p0 .LBB2_1-.Ltmp4, $4  }
0x2b9: {  	[sflag:s15] =	ssyncadd.s32 $0xFFFF8000  }
0x2ba: {  	_ =	swait.ge [sflag:s16], $0x8000  }
0x2bb: {  	[sflag:s16] =	ssyncset.done $0x0  }
0x2bc: {  	[sflag:s16] =	ssyncadd.s32 $0xFFFF8000  }
0x2bd: {  	_ =	sfence.sel $0x180000  }
0x2be: {  	[bflag:$0x0] =	sbarrier.arrive $0xFFFF  }
0x2bf: {  	_ =	strace $0x90000047  }
0x2c0: {  	s0 =	stileid.u32;
	[bflag:$0x2] =	sbarrier.arrive $0xFFFF  }
0x2c1: {  	p0 =	sne.s32 s0, $0x0;
	s0 =	rddreg [dreg:$0x1]  }
0x2c2: {  	s0 =	sadd.s32 @!p0 $0x100000, s0  }
0x2c3: {  	[sflag:s0] =	ssyncadd.tile.s32 @!p0 $0x1;
	_ =	shalt  }
.Lfunc_end2:
_tile_overlayer_lowered:
.L_overlay_start_2:
0x2c4: {  	(tag) =	ssettag $0x2  }
0x2c5: {  	s0 =	rddreg [dreg:$0x0];
	s2 =	stileid.u32  }
0x2c6: {  	s1 =	rddreg [dreg:$0x1];
	p0 =	sne.s32 s2, $0x0  }
0x2c7: {  	s3 =	rddreg [dreg:$0x2];
	[bflag:$0x3] =	sbarrier.arrive $0xFFFF;
	s2 =	simm.s32 @!p0 $0x1C03  }
0x2c8: {  	[timem:s3], [sflag:s2] =	dma.local @!p0 [hbm:s0], s1  }
0x2c9: {  	s0 =	simm.s32 @!p0 $0x3  }
0x2ca: {  	_ =	swait.ge @!p0 [sflag:s0], s1  }
0x2cb: {  	s1 =	ssub.s32 @!p0 $0x0, s1;
	[sflag:s0] =	ssyncset.done @!p0 $0x0  }
0x2cc: {  	[sflag:s0] =	ssyncadd.s32 @!p0 s1  }
0x2cd: {  	[bflag:$0x3] =	sbarrier.arrive $0xFFFF  }
0x2ce: {  	_ =	shalt  }

</sc_bundles>
